<compile_context>
chip_gen: v7x
topology: tpu7x:2x2x1
jax: 0.10.2.dev20260603
libtpu: 0.0.44.dev20260713+nightly
codegen_flags: <defaults>
</compile_context>

<pallas_src>
import functools

import jax
import jax.numpy as jnp
from jax import lax
from jax.experimental import pallas as pl
from jax.experimental.pallas import tpu as pltpu
from jax.experimental.pallas import tpu_sc as plsc

WORD_DIM = 64
LANE = 16
IDX_MINOR = 128
NUM_CORES = 2
NUM_SUBCORES = 16
NUM_WORKERS = NUM_CORES * NUM_SUBCORES


def _transpose_block(g_ref, gt_ref, b, lane, rots):

    @plsc.parallel_loop(0, 32, unroll=2)
    def _(m):
        bc = m >> 2
        dc = m & 3
        rowv = bc * LANE + lane
        dbase = dc * LANE
        for k in range(16):
            colv = dbase + rots[k]
            val = plsc.load_gather(g_ref.at[b], [rowv, colv])
            plsc.store_scatter(gt_ref.at[b], [colv >> 3, colv & 7, rowv],
                               val)


def _emb_body(rows_per_w, xg_hbm, table_hbm, out_hbm,
              idx_v, g_v, gt_v, gsem0, gsem1, ssem0, ssem1):
    gsems = (gsem0, gsem1)
    ssems = (ssem0, ssem1)
    wid = lax.axis_index("s") * NUM_CORES + lax.axis_index("c")
    base = wid * rows_per_w

    lane = lax.iota(jnp.int32, LANE)
    rots = [(lane + k) & 15 for k in range(16)]

    pltpu.sync_copy(xg_hbm.at[pl.ds(base, rows_per_w)], idx_v)

    def fire_gather(b, i):
        pltpu.async_copy(table_hbm.at[idx_v.at[i]], g_v.at[b], gsems[b])

    def drain_gather(b):
        pltpu.make_async_copy(table_hbm.at[idx_v.at[0]], g_v.at[b],
                              gsems[b]).wait()

    def out_slice(i):
        blk = base + i
        sg = blk // 256
        bj = (blk // 8) % 32
        ss = blk % 8
        s = sg * 8 + ss
        return out_hbm.at[s, :, bj]

    def fire_store(b, i):
        pltpu.async_copy(gt_v.at[b], out_slice(i), ssems[b])

    def wait_store(b):
        pltpu.make_async_copy(gt_v.at[b], out_hbm.at[0, :, 0],
                              ssems[b]).wait()

    fire_gather(0, 0)
    n_pairs = rows_per_w // 2

    def pair_step(it, carry):
        i0 = 2 * it
        i1 = i0 + 1

        fire_gather(1, i1)
        drain_gather(0)

        @pl.when(it > 0)
        def _():
            wait_store(0)

        _transpose_block(g_v, gt_v, 0, lane, rots)
        fire_store(0, i0)

        @pl.when(it + 1 < n_pairs)
        def _():
            fire_gather(0, i0 + 2)

        drain_gather(1)

        @pl.when(it > 0)
        def _():
            wait_store(1)

        _transpose_block(g_v, gt_v, 1, lane, rots)
        fire_store(1, i1)
        return carry

    lax.fori_loop(0, n_pairs, pair_step, 0)
    wait_store(0)
    wait_store(1)


def kernel(x, emb_table):
    batch, seq = x.shape
    total = batch * seq
    n_rows = total // IDX_MINOR
    rows_per_w = n_rows // NUM_WORKERS
    assert n_rows % NUM_WORKERS == 0 and rows_per_w % 2 == 0
    n_btile = batch // IDX_MINOR
    n_stile = seq // 8

    xv = (x.astype(jnp.int32)
          .reshape(n_btile, IDX_MINOR, n_stile, 8)
          .transpose(2, 0, 3, 1)
          .reshape(n_rows, IDX_MINOR))

    mesh = plsc.VectorSubcoreMesh(core_axis_name="c", subcore_axis_name="s")
    emb_kernel = pl.kernel(
        functools.partial(_emb_body, rows_per_w),
        out_type=jax.ShapeDtypeStruct(
            (seq, WORD_DIM // 8, n_btile, 8, IDX_MINOR), emb_table.dtype),
        mesh=mesh,
        scratch_types=[
            pltpu.VMEM((rows_per_w, IDX_MINOR), jnp.int32),
            pltpu.VMEM((2, IDX_MINOR, WORD_DIM), emb_table.dtype),
            pltpu.VMEM((2, WORD_DIM // 8, 8, IDX_MINOR), emb_table.dtype),
            pltpu.SemaphoreType.DMA,
            pltpu.SemaphoreType.DMA,
            pltpu.SemaphoreType.DMA,
            pltpu.SemaphoreType.DMA,
        ],
        compiler_params=pltpu.CompilerParams(use_tc_tiling_on_sc=False,
                                             needs_layout_passes=False),
    )
    out5 = emb_kernel(xv, emb_table)
    return (out5.transpose(2, 4, 0, 1, 3)
            .reshape(batch, seq, WORD_DIM))

# --- scband reference (transcript-rebuilt; emitter-appended) ---
"""Pipeline reference for scband-word-emb-45217415692308 (READ-ONLY COPY).

The authoritative reference and input builder live on the scoring server;
editing this copy changes nothing except your own understanding.
"""

import jax, jax.numpy as jnp
import numpy as np

VOCAB = 1000000
WORD_DIM = 64
BATCH = 4096
SEQ = 200

def setup_inputs(seed: int = 0) -> dict:
    key = jax.random.key(seed)
    k_idx, k_emb = jax.random.split(key)
    x = jax.random.randint(k_idx, (BATCH, SEQ), 0, VOCAB, dtype=jnp.int64 if jax.config.jax_enable_x64 else jnp.int32)
    emb_table = jax.random.normal(k_emb, (VOCAB, WORD_DIM), dtype=jnp.float32)
    return {"x": x, "emb_table": emb_table}

def reference(x, emb_table):
    # nn.Embedding forward: gather rows of the table by index
    out = jnp.take(emb_table, x, axis=0)  # (batch, seq, word_dim)
    return out

if __name__ == "__main__":
    import jax
    _d = setup_inputs()
    print(jax.jit(kernel)(*tuple(_d.values())))

</pallas_src>

<mosaic_0001>
#map = affine_map<(d0, d1) -> (0, 0)>
#map1 = affine_map<(d0, d1) -> (0, 0, 0, 0, 0)>
module attributes {stable_mosaic.version = 14 : i64} {
  func.func @_emb_body(%arg0: i32, %arg1: i32, %arg2: memref<6400x128xi32, #tpu.memory_space<hbm>>, %arg3: memref<1000000x64xf32, #tpu.memory_space<hbm>>, %arg4: memref<200x8x32x8x128xf32, #tpu.memory_space<hbm>>, %arg5: memref<200x128xi32, #tpu.memory_space<vmem>>, %arg6: memref<2x128x64xf32, #tpu.memory_space<vmem>>, %arg7: memref<2x8x8x128xf32, #tpu.memory_space<vmem>>, %arg8: memref<!tpu.dma_semaphore, #tpu.memory_space<semaphore_mem>>, %arg9: memref<!tpu.dma_semaphore, #tpu.memory_space<semaphore_mem>>, %arg10: memref<!tpu.dma_semaphore, #tpu.memory_space<semaphore_mem>>, %arg11: memref<!tpu.dma_semaphore, #tpu.memory_space<semaphore_mem>>) attributes {dimension_semantics = [#tpu.dimension_semantics<core_parallel>, #tpu.dimension_semantics<subcore_parallel>], iteration_bounds = array<i64: 2, 16>, scalar_prefetch = 0 : i64, scratch_operands = 7 : i64, tpu.core_type = #tpu.core_type<sc_vector_subcore>, window_params = [{transform_indices = #map}, {transform_indices = #map}, {transform_indices = #map1}]} {
    %mul3A = arith.constant 2 : i32
    %mul3A_0 = arith.muli %arg1, %mul3A : i32
    %add3A = arith.addi %mul3A_0, %arg0 : i32
    %mul3A_1 = arith.constant 200 : i32
    %mul3A_2 = arith.muli %add3A, %mul3A_1 : i32
    %iota3A = tpu.iota {dimensions = array<i32: 0>} : vector<16xi32>
    %add3A_3 = arith.constant 0 : i32
    %add3A_4 = vector.broadcast %add3A_3 : i32 to vector<16xi32>
    %add3A_5 = arith.addi %iota3A, %add3A_4 : vector<16xi32>
    %and3A = arith.constant 15 : i32
    %and3A_6 = vector.broadcast %and3A : i32 to vector<16xi32>
    %and3A_7 = arith.andi %add3A_5, %and3A_6 : vector<16xi32>
    %add3A_8 = arith.constant 1 : i32
    %add3A_9 = vector.broadcast %add3A_8 : i32 to vector<16xi32>
    %add3A_10 = arith.addi %iota3A, %add3A_9 : vector<16xi32>
    %and3A_11 = arith.constant 15 : i32
    %and3A_12 = vector.broadcast %and3A_11 : i32 to vector<16xi32>
    %and3A_13 = arith.andi %add3A_10, %and3A_12 : vector<16xi32>
    %add3A_14 = arith.constant 2 : i32
    %add3A_15 = vector.broadcast %add3A_14 : i32 to vector<16xi32>
    %add3A_16 = arith.addi %iota3A, %add3A_15 : vector<16xi32>
    %and3A_17 = arith.constant 15 : i32
    %and3A_18 = vector.broadcast %and3A_17 : i32 to vector<16xi32>
    %and3A_19 = arith.andi %add3A_16, %and3A_18 : vector<16xi32>
    %add3A_20 = arith.constant 3 : i32
    %add3A_21 = vector.broadcast %add3A_20 : i32 to vector<16xi32>
    %add3A_22 = arith.addi %iota3A, %add3A_21 : vector<16xi32>
    %and3A_23 = arith.constant 15 : i32
    %and3A_24 = vector.broadcast %and3A_23 : i32 to vector<16xi32>
    %and3A_25 = arith.andi %add3A_22, %and3A_24 : vector<16xi32>
    %add3A_26 = arith.constant 4 : i32
    %add3A_27 = vector.broadcast %add3A_26 : i32 to vector<16xi32>
    %add3A_28 = arith.addi %iota3A, %add3A_27 : vector<16xi32>
    %and3A_29 = arith.constant 15 : i32
    %and3A_30 = vector.broadcast %and3A_29 : i32 to vector<16xi32>
    %and3A_31 = arith.andi %add3A_28, %and3A_30 : vector<16xi32>
    %add3A_32 = arith.constant 5 : i32
    %add3A_33 = vector.broadcast %add3A_32 : i32 to vector<16xi32>
    %add3A_34 = arith.addi %iota3A, %add3A_33 : vector<16xi32>
    %and3A_35 = arith.constant 15 : i32
    %and3A_36 = vector.broadcast %and3A_35 : i32 to vector<16xi32>
    %and3A_37 = arith.andi %add3A_34, %and3A_36 : vector<16xi32>
    %add3A_38 = arith.constant 6 : i32
    %add3A_39 = vector.broadcast %add3A_38 : i32 to vector<16xi32>
    %add3A_40 = arith.addi %iota3A, %add3A_39 : vector<16xi32>
    %and3A_41 = arith.constant 15 : i32
    %and3A_42 = vector.broadcast %and3A_41 : i32 to vector<16xi32>
    %and3A_43 = arith.andi %add3A_40, %and3A_42 : vector<16xi32>
    %add3A_44 = arith.constant 7 : i32
    %add3A_45 = vector.broadcast %add3A_44 : i32 to vector<16xi32>
    %add3A_46 = arith.addi %iota3A, %add3A_45 : vector<16xi32>
    %and3A_47 = arith.constant 15 : i32
    %and3A_48 = vector.broadcast %and3A_47 : i32 to vector<16xi32>
    %and3A_49 = arith.andi %add3A_46, %and3A_48 : vector<16xi32>
    %add3A_50 = arith.constant 8 : i32
    %add3A_51 = vector.broadcast %add3A_50 : i32 to vector<16xi32>
    %add3A_52 = arith.addi %iota3A, %add3A_51 : vector<16xi32>
    %and3A_53 = arith.constant 15 : i32
    %and3A_54 = vector.broadcast %and3A_53 : i32 to vector<16xi32>
    %and3A_55 = arith.andi %add3A_52, %and3A_54 : vector<16xi32>
    %add3A_56 = arith.constant 9 : i32
    %add3A_57 = vector.broadcast %add3A_56 : i32 to vector<16xi32>
    %add3A_58 = arith.addi %iota3A, %add3A_57 : vector<16xi32>
    %and3A_59 = arith.constant 15 : i32
    %and3A_60 = vector.broadcast %and3A_59 : i32 to vector<16xi32>
    %and3A_61 = arith.andi %add3A_58, %and3A_60 : vector<16xi32>
    %add3A_62 = arith.constant 10 : i32
    %add3A_63 = vector.broadcast %add3A_62 : i32 to vector<16xi32>
    %add3A_64 = arith.addi %iota3A, %add3A_63 : vector<16xi32>
    %and3A_65 = arith.constant 15 : i32
    %and3A_66 = vector.broadcast %and3A_65 : i32 to vector<16xi32>
    %and3A_67 = arith.andi %add3A_64, %and3A_66 : vector<16xi32>
    %add3A_68 = arith.constant 11 : i32
    %add3A_69 = vector.broadcast %add3A_68 : i32 to vector<16xi32>
    %add3A_70 = arith.addi %iota3A, %add3A_69 : vector<16xi32>
    %and3A_71 = arith.constant 15 : i32
    %and3A_72 = vector.broadcast %and3A_71 : i32 to vector<16xi32>
    %and3A_73 = arith.andi %add3A_70, %and3A_72 : vector<16xi32>
    %add3A_74 = arith.constant 12 : i32
    %add3A_75 = vector.broadcast %add3A_74 : i32 to vector<16xi32>
    %add3A_76 = arith.addi %iota3A, %add3A_75 : vector<16xi32>
    %and3A_77 = arith.constant 15 : i32
    %and3A_78 = vector.broadcast %and3A_77 : i32 to vector<16xi32>
    %and3A_79 = arith.andi %add3A_76, %and3A_78 : vector<16xi32>
    %add3A_80 = arith.constant 13 : i32
    %add3A_81 = vector.broadcast %add3A_80 : i32 to vector<16xi32>
    %add3A_82 = arith.addi %iota3A, %add3A_81 : vector<16xi32>
    %and3A_83 = arith.constant 15 : i32
    %and3A_84 = vector.broadcast %and3A_83 : i32 to vector<16xi32>
    %and3A_85 = arith.andi %add3A_82, %and3A_84 : vector<16xi32>
    %add3A_86 = arith.constant 14 : i32
    %add3A_87 = vector.broadcast %add3A_86 : i32 to vector<16xi32>
    %add3A_88 = arith.addi %iota3A, %add3A_87 : vector<16xi32>
    %and3A_89 = arith.constant 15 : i32
    %and3A_90 = vector.broadcast %and3A_89 : i32 to vector<16xi32>
    %and3A_91 = arith.andi %add3A_88, %and3A_90 : vector<16xi32>
    %add3A_92 = arith.constant 15 : i32
    %add3A_93 = vector.broadcast %add3A_92 : i32 to vector<16xi32>
    %add3A_94 = arith.addi %iota3A, %add3A_93 : vector<16xi32>
    %and3A_95 = arith.constant 15 : i32
    %and3A_96 = vector.broadcast %and3A_95 : i32 to vector<16xi32>
    %and3A_97 = arith.andi %add3A_94, %and3A_96 : vector<16xi32>
    "tpu.region"() ({
      %run_scoped3A = tpu.sem_alloc : memref<!tpu.dma_semaphore, #tpu.memory_space<semaphore_mem>>
      %dma_start3A_159 = arith.constant 0 : i32
      %dma_start3A_160 = tpu.memref_slice %arg2[%mul3A_2, %dma_start3A_159] : memref<6400x128xi32, #tpu.memory_space<hbm>> -> memref<200x128xi32, #tpu.memory_space<hbm>>
      %dma_start3A_161 = arith.constant 0 : i32
      %dma_start3A_162 = tpu.memref_slice %arg2[%mul3A_2, %dma_start3A_161] : memref<6400x128xi32, #tpu.memory_space<hbm>> -> memref<200x128xi32, #tpu.memory_space<hbm>>
      tpu.enqueue_dma source(%dma_start3A_162 : memref<200x128xi32, #tpu.memory_space<hbm>>) target(%arg5 : memref<200x128xi32, #tpu.memory_space<vmem>>) target_semaphore(%run_scoped3A : memref<!tpu.dma_semaphore, #tpu.memory_space<semaphore_mem>>)
      %dma_wait3A_163 = arith.constant 0 : i32
      %dma_wait3A_164 = tpu.memref_slice %arg2[%mul3A_2, %dma_wait3A_163] : memref<6400x128xi32, #tpu.memory_space<hbm>> -> memref<200x128xi32, #tpu.memory_space<hbm>>
      %dma_wait3A_165 = arith.constant 0 : i32
      %dma_wait3A_166 = tpu.memref_slice %arg2[%mul3A_2, %dma_wait3A_165] : memref<6400x128xi32, #tpu.memory_space<hbm>> -> memref<200x128xi32, #tpu.memory_space<hbm>>
      tpu.wait_dma2 semaphore(%run_scoped3A : memref<!tpu.dma_semaphore, #tpu.memory_space<semaphore_mem>>) src(%dma_wait3A_166 : memref<200x128xi32, #tpu.memory_space<hbm>>) dst(%arg5 : memref<200x128xi32, #tpu.memory_space<vmem>>)
      tpu.yield
    }) : () -> ()
    %dma_start3A = arith.constant 0 : i32
    %dma_start3A_98 = arith.constant 0 : i32
    %dma_start3A_99 = arith.constant 0 : i32
    %dma_start3A_100 = arith.constant 0 : i32
    %dma_start3A_101 = tpu.memref_slice %arg6[%dma_start3A_98, %dma_start3A_99, %dma_start3A_100] : memref<2x128x64xf32, #tpu.memory_space<vmem>> -> memref<1x128x64xf32, #tpu.memory_space<vmem>>
    %dma_start3A_102 = tpu.memref_squeeze %dma_start3A_101 : memref<1x128x64xf32, #tpu.memory_space<vmem>> -> memref<128x64xf32, #tpu.memory_space<vmem>>
    %dma_start3A_103 = arith.constant 0 : i32
    %dma_start3A_104 = tpu.memref_slice %arg5[%dma_start3A, %dma_start3A_103] : memref<200x128xi32, #tpu.memory_space<vmem>> -> memref<1x128xi32, #tpu.memory_space<vmem>>
    %dma_start3A_105 = tpu.memref_squeeze %dma_start3A_104 : memref<1x128xi32, #tpu.memory_space<vmem>> -> memref<128xi32, #tpu.memory_space<vmem>>
    %dma_start3A_106 = arith.constant 0 : i32
    %dma_start3A_107 = arith.constant 0 : i32
    %dma_start3A_108 = tpu.memref_slice %arg3[%dma_start3A_106, %dma_start3A_107] : memref<1000000x64xf32, #tpu.memory_space<hbm>> -> memref<1000000x64xf32, #tpu.memory_space<hbm>>
    tpu.enqueue_indirect_dma source(%dma_start3A_108 : memref<1000000x64xf32, #tpu.memory_space<hbm>>) target(%dma_start3A_102 : memref<128x64xf32, #tpu.memory_space<vmem>>) offsets(%dma_start3A_105 : memref<128xi32, #tpu.memory_space<vmem>>) semaphore(%arg8 : memref<!tpu.dma_semaphore, #tpu.memory_space<semaphore_mem>>)
    %scan3A = arith.constant 0 : i32
    %scan3A_109 = arith.constant 0 : i32
    %scan3A_110 = arith.constant 100 : i32
    %scan3A_111 = arith.addi %scan3A_109, %scan3A_110 : i32
    %scan3A_112 = arith.constant 1 : i32
    scf.for %scan3A_159 = %scan3A_109 to %scan3A_111 step %scan3A_112  : i32 {
      %mul3A_160 = arith.constant 2 : i32
      %mul3A_161 = arith.muli %mul3A_160, %scan3A_159 : i32
      %add3A_162 = arith.constant 1 : i32
      %add3A_163 = arith.addi %mul3A_161, %add3A_162 : i32
      %dma_start3A_164 = arith.constant 1 : i32
      %dma_start3A_165 = arith.constant 0 : i32
      %dma_start3A_166 = arith.constant 0 : i32
      %dma_start3A_167 = tpu.memref_slice %arg6[%dma_start3A_164, %dma_start3A_165, %dma_start3A_166] : memref<2x128x64xf32, #tpu.memory_space<vmem>> -> memref<1x128x64xf32, #tpu.memory_space<vmem>>
      %dma_start3A_168 = tpu.memref_squeeze %dma_start3A_167 : memref<1x128x64xf32, #tpu.memory_space<vmem>> -> memref<128x64xf32, #tpu.memory_space<vmem>>
      %dma_start3A_169 = arith.constant 0 : i32
      %dma_start3A_170 = tpu.memref_slice %arg5[%add3A_163, %dma_start3A_169] : memref<200x128xi32, #tpu.memory_space<vmem>> -> memref<1x128xi32, #tpu.memory_space<vmem>>
      %dma_start3A_171 = tpu.memref_squeeze %dma_start3A_170 : memref<1x128xi32, #tpu.memory_space<vmem>> -> memref<128xi32, #tpu.memory_space<vmem>>
      %dma_start3A_172 = arith.constant 0 : i32
      %dma_start3A_173 = arith.constant 0 : i32
      %dma_start3A_174 = tpu.memref_slice %arg3[%dma_start3A_172, %dma_start3A_173] : memref<1000000x64xf32, #tpu.memory_space<hbm>> -> memref<1000000x64xf32, #tpu.memory_space<hbm>>
      tpu.enqueue_indirect_dma source(%dma_start3A_174 : memref<1000000x64xf32, #tpu.memory_space<hbm>>) target(%dma_start3A_168 : memref<128x64xf32, #tpu.memory_space<vmem>>) offsets(%dma_start3A_171 : memref<128xi32, #tpu.memory_space<vmem>>) semaphore(%arg9 : memref<!tpu.dma_semaphore, #tpu.memory_space<semaphore_mem>>)
      %dma_wait3A_175 = arith.constant 0 : i32
      %dma_wait3A_176 = arith.constant 0 : i32
      %dma_wait3A_177 = arith.constant 0 : i32
      %dma_wait3A_178 = arith.constant 0 : i32
      %dma_wait3A_179 = tpu.memref_slice %arg6[%dma_wait3A_176, %dma_wait3A_177, %dma_wait3A_178] : memref<2x128x64xf32, #tpu.memory_space<vmem>> -> memref<1x128x64xf32, #tpu.memory_space<vmem>>
      %dma_wait3A_180 = tpu.memref_squeeze %dma_wait3A_179 : memref<1x128x64xf32, #tpu.memory_space<vmem>> -> memref<128x64xf32, #tpu.memory_space<vmem>>
      %dma_wait3A_181 = arith.constant 0 : i32
      %dma_wait3A_182 = tpu.memref_slice %arg5[%dma_wait3A_175, %dma_wait3A_181] : memref<200x128xi32, #tpu.memory_space<vmem>> -> memref<1x128xi32, #tpu.memory_space<vmem>>
      %dma_wait3A_183 = tpu.memref_squeeze %dma_wait3A_182 : memref<1x128xi32, #tpu.memory_space<vmem>> -> memref<128xi32, #tpu.memory_space<vmem>>
      %dma_wait3A_184 = arith.constant 0 : i32
      %dma_wait3A_185 = arith.constant 0 : i32
      %dma_wait3A_186 = tpu.memref_slice %arg3[%dma_wait3A_184, %dma_wait3A_185] : memref<1000000x64xf32, #tpu.memory_space<hbm>> -> memref<1000000x64xf32, #tpu.memory_space<hbm>>
      tpu.wait_indirect_dma semaphore(%arg8 : memref<!tpu.dma_semaphore, #tpu.memory_space<semaphore_mem>>) src(%dma_wait3A_186 : memref<1000000x64xf32, #tpu.memory_space<hbm>>) dst(%dma_wait3A_180 : memref<128x64xf32, #tpu.memory_space<vmem>>)
      %gt3A = arith.constant 0 : i32
      %gt3A_187 = arith.cmpi sgt, %scan3A_159, %gt3A : i32
      %convert_element_type3A = arith.extui %gt3A_187 : i1 to i32
      %cond3A = arith.constant 0 : i32
      %cond3A_188 = arith.cmpi ne, %convert_element_type3A, %cond3A : i32
      scf.if %cond3A_188 {
        %dma_wait3A_419 = arith.constant 0 : i32
        %dma_wait3A_420 = arith.constant 0 : i32
        %dma_wait3A_421 = arith.constant 0 : i32
        %dma_wait3A_422 = arith.constant 0 : i32
        %dma_wait3A_423 = arith.constant 0 : i32
        %dma_wait3A_424 = arith.constant 0 : i32
        %dma_wait3A_425 = tpu.memref_slice %arg7[%dma_wait3A_419, %dma_wait3A_422, %dma_wait3A_423, %dma_wait3A_424] : memref<2x8x8x128xf32, #tpu.memory_space<vmem>> -> memref<1x8x8x128xf32, #tpu.memory_space<vmem>>
        %dma_wait3A_426 = tpu.memref_squeeze %dma_wait3A_425 : memref<1x8x8x128xf32, #tpu.memory_space<vmem>> -> memref<8x8x128xf32, #tpu.memory_space<vmem>>
        %dma_wait3A_427 = arith.constant 0 : i32
        %dma_wait3A_428 = arith.constant 0 : i32
        %dma_wait3A_429 = arith.constant 0 : i32
        %dma_wait3A_430 = tpu.memref_slice %arg4[%dma_wait3A_420, %dma_wait3A_427, %dma_wait3A_421, %dma_wait3A_428, %dma_wait3A_429] : memref<200x8x32x8x128xf32, #tpu.memory_space<hbm>> -> memref<1x8x1x8x128xf32, #tpu.memory_space<hbm>>
        %dma_wait3A_431 = tpu.memref_squeeze %dma_wait3A_430 : memref<1x8x1x8x128xf32, #tpu.memory_space<hbm>> -> memref<8x8x128xf32, #tpu.memory_space<hbm>>
        %dma_wait3A_432 = arith.constant 0 : i32
        %dma_wait3A_433 = arith.constant 0 : i32
        %dma_wait3A_434 = arith.constant 0 : i32
        %dma_wait3A_435 = tpu.memref_slice %arg4[%dma_wait3A_420, %dma_wait3A_432, %dma_wait3A_421, %dma_wait3A_433, %dma_wait3A_434] : memref<200x8x32x8x128xf32, #tpu.memory_space<hbm>> -> memref<1x8x1x8x128xf32, #tpu.memory_space<hbm>>
        %dma_wait3A_436 = tpu.memref_squeeze %dma_wait3A_435 : memref<1x8x1x8x128xf32, #tpu.memory_space<hbm>> -> memref<8x8x128xf32, #tpu.memory_space<hbm>>
        %dma_wait3A_437 = arith.constant 0 : i32
        %dma_wait3A_438 = arith.constant 0 : i32
        %dma_wait3A_439 = arith.constant 0 : i32
        %dma_wait3A_440 = tpu.memref_slice %arg7[%dma_wait3A_419, %dma_wait3A_437, %dma_wait3A_438, %dma_wait3A_439] : memref<2x8x8x128xf32, #tpu.memory_space<vmem>> -> memref<1x8x8x128xf32, #tpu.memory_space<vmem>>
        %dma_wait3A_441 = tpu.memref_squeeze %dma_wait3A_440 : memref<1x8x8x128xf32, #tpu.memory_space<vmem>> -> memref<8x8x128xf32, #tpu.memory_space<vmem>>
        tpu.wait_dma2 semaphore(%arg10 : memref<!tpu.dma_semaphore, #tpu.memory_space<semaphore_mem>>) src(%dma_wait3A_441 : memref<8x8x128xf32, #tpu.memory_space<vmem>>) dst(%dma_wait3A_436 : memref<8x8x128xf32, #tpu.memory_space<hbm>>)
      } else {
      }
      %parallel_loop3A = arith.constant 0 : i32
      %parallel_loop3A_189 = arith.constant 32 : i32
      %parallel_loop3A_190 = arith.constant 1 : i32
      scf.for %parallel_loop3A_419 = %parallel_loop3A to %parallel_loop3A_189 step %parallel_loop3A_190  : i32 {
        %parallel_loop3A_420 = arith.constant 2 : i32
        %parallel_loop3A_421 = arith.shrsi %parallel_loop3A_419, %parallel_loop3A_420 : i32
        %parallel_loop3A_422 = arith.constant 3 : i32
        %parallel_loop3A_423 = arith.andi %parallel_loop3A_419, %parallel_loop3A_422 : i32
        %parallel_loop3A_424 = arith.constant 16 : i32
        %parallel_loop3A_425 = arith.muli %parallel_loop3A_421, %parallel_loop3A_424 : i32
        %parallel_loop3A_426 = vector.broadcast %parallel_loop3A_425 : i32 to vector<16xi32>
        %parallel_loop3A_427 = arith.addi %parallel_loop3A_426, %iota3A : vector<16xi32>
        %parallel_loop3A_428 = arith.constant 16 : i32
        %parallel_loop3A_429 = arith.muli %parallel_loop3A_423, %parallel_loop3A_428 : i32
        %parallel_loop3A_430 = vector.broadcast %parallel_loop3A_429 : i32 to vector<16xi32>
        %parallel_loop3A_431 = arith.addi %parallel_loop3A_430, %and3A_7 : vector<16xi32>
        %parallel_loop3A_432 = arith.constant 0 : i32
        %parallel_loop3A_433 = arith.constant 0 : i32
        %parallel_loop3A_434 = arith.constant 0 : i32
        %parallel_loop3A_435 = tpu.memref_slice %arg6[%parallel_loop3A_432, %parallel_loop3A_433, %parallel_loop3A_434] : memref<2x128x64xf32, #tpu.memory_space<vmem>> -> memref<1x128x64xf32, #tpu.memory_space<vmem>>
        %parallel_loop3A_436 = tpu.memref_squeeze %parallel_loop3A_435 : memref<1x128x64xf32, #tpu.memory_space<vmem>> -> memref<128x64xf32, #tpu.memory_space<vmem>>
        %parallel_loop3A_437 = tpu.vector_load_idx %parallel_loop3A_436[%parallel_loop3A_427, %parallel_loop3A_431] : memref<128x64xf32, #tpu.memory_space<vmem>>[vector<16xi32>, vector<16xi32>], vector<16xf32>,
        %parallel_loop3A_438 = arith.constant 3 : i32
        %parallel_loop3A_439 = vector.broadcast %parallel_loop3A_438 : i32 to vector<16xi32>
        %parallel_loop3A_440 = arith.shrsi %parallel_loop3A_431, %parallel_loop3A_439 : vector<16xi32>
        %parallel_loop3A_441 = arith.constant 7 : i32
        %parallel_loop3A_442 = vector.broadcast %parallel_loop3A_441 : i32 to vector<16xi32>
        %parallel_loop3A_443 = arith.andi %parallel_loop3A_431, %parallel_loop3A_442 : vector<16xi32>
        %parallel_loop3A_444 = arith.constant 0 : i32
        %parallel_loop3A_445 = arith.constant 0 : i32
        %parallel_loop3A_446 = arith.constant 0 : i32
        %parallel_loop3A_447 = arith.constant 0 : i32
        %parallel_loop3A_448 = tpu.memref_slice %arg7[%parallel_loop3A_444, %parallel_loop3A_445, %parallel_loop3A_446, %parallel_loop3A_447] : memref<2x8x8x128xf32, #tpu.memory_space<vmem>> -> memref<1x8x8x128xf32, #tpu.memory_space<vmem>>
        %parallel_loop3A_449 = tpu.memref_squeeze %parallel_loop3A_448 : memref<1x8x8x128xf32, #tpu.memory_space<vmem>> -> memref<8x8x128xf32, #tpu.memory_space<vmem>>
        tpu.vector_store_idx %parallel_loop3A_449[%parallel_loop3A_440, %parallel_loop3A_443, %parallel_loop3A_427], %parallel_loop3A_437 : memref<8x8x128xf32, #tpu.memory_space<vmem>>[vector<16xi32>, vector<16xi32>, vector<16xi32>], vector<16xf32>,
        %parallel_loop3A_450 = vector.broadcast %parallel_loop3A_429 : i32 to vector<16xi32>
        %parallel_loop3A_451 = arith.addi %parallel_loop3A_450, %and3A_13 : vector<16xi32>
        %parallel_loop3A_452 = arith.constant 0 : i32
        %parallel_loop3A_453 = arith.constant 0 : i32
        %parallel_loop3A_454 = arith.constant 0 : i32
        %parallel_loop3A_455 = tpu.memref_slice %arg6[%parallel_loop3A_452, %parallel_loop3A_453, %parallel_loop3A_454] : memref<2x128x64xf32, #tpu.memory_space<vmem>> -> memref<1x128x64xf32, #tpu.memory_space<vmem>>
        %parallel_loop3A_456 = tpu.memref_squeeze %parallel_loop3A_455 : memref<1x128x64xf32, #tpu.memory_space<vmem>> -> memref<128x64xf32, #tpu.memory_space<vmem>>
        %parallel_loop3A_457 = tpu.vector_load_idx %parallel_loop3A_456[%parallel_loop3A_427, %parallel_loop3A_451] : memref<128x64xf32, #tpu.memory_space<vmem>>[vector<16xi32>, vector<16xi32>], vector<16xf32>,
        %parallel_loop3A_458 = arith.constant 3 : i32
        %parallel_loop3A_459 = vector.broadcast %parallel_loop3A_458 : i32 to vector<16xi32>
        %parallel_loop3A_460 = arith.shrsi %parallel_loop3A_451, %parallel_loop3A_459 : vector<16xi32>
        %parallel_loop3A_461 = arith.constant 7 : i32
        %parallel_loop3A_462 = vector.broadcast %parallel_loop3A_461 : i32 to vector<16xi32>
        %parallel_loop3A_463 = arith.andi %parallel_loop3A_451, %parallel_loop3A_462 : vector<16xi32>
        %parallel_loop3A_464 = arith.constant 0 : i32
        %parallel_loop3A_465 = arith.constant 0 : i32
        %parallel_loop3A_466 = arith.constant 0 : i32
        %parallel_loop3A_467 = arith.constant 0 : i32
        %parallel_loop3A_468 = tpu.memref_slice %arg7[%parallel_loop3A_464, %parallel_loop3A_465, %parallel_loop3A_466, %parallel_loop3A_467] : memref<2x8x8x128xf32, #tpu.memory_space<vmem>> -> memref<1x8x8x128xf32, #tpu.memory_space<vmem>>
        %parallel_loop3A_469 = tpu.memref_squeeze %parallel_loop3A_468 : memref<1x8x8x128xf32, #tpu.memory_space<vmem>> -> memref<8x8x128xf32, #tpu.memory_space<vmem>>
        tpu.vector_store_idx %parallel_loop3A_469[%parallel_loop3A_460, %parallel_loop3A_463, %parallel_loop3A_427], %parallel_loop3A_457 : memref<8x8x128xf32, #tpu.memory_space<vmem>>[vector<16xi32>, vector<16xi32>, vector<16xi32>], vector<16xf32>,
        %parallel_loop3A_470 = vector.broadcast %parallel_loop3A_429 : i32 to vector<16xi32>
        %parallel_loop3A_471 = arith.addi %parallel_loop3A_470, %and3A_19 : vector<16xi32>
        %parallel_loop3A_472 = arith.constant 0 : i32
        %parallel_loop3A_473 = arith.constant 0 : i32
        %parallel_loop3A_474 = arith.constant 0 : i32
        %parallel_loop3A_475 = tpu.memref_slice %arg6[%parallel_loop3A_472, %parallel_loop3A_473, %parallel_loop3A_474] : memref<2x128x64xf32, #tpu.memory_space<vmem>> -> memref<1x128x64xf32, #tpu.memory_space<vmem>>
        %parallel_loop3A_476 = tpu.memref_squeeze %parallel_loop3A_475 : memref<1x128x64xf32, #tpu.memory_space<vmem>> -> memref<128x64xf32, #tpu.memory_space<vmem>>
        %parallel_loop3A_477 = tpu.vector_load_idx %parallel_loop3A_476[%parallel_loop3A_427, %parallel_loop3A_471] : memref<128x64xf32, #tpu.memory_space<vmem>>[vector<16xi32>, vector<16xi32>], vector<16xf32>,
        %parallel_loop3A_478 = arith.constant 3 : i32
        %parallel_loop3A_479 = vector.broadcast %parallel_loop3A_478 : i32 to vector<16xi32>
        %parallel_loop3A_480 = arith.shrsi %parallel_loop3A_471, %parallel_loop3A_479 : vector<16xi32>
        %parallel_loop3A_481 = arith.constant 7 : i32
        %parallel_loop3A_482 = vector.broadcast %parallel_loop3A_481 : i32 to vector<16xi32>
        %parallel_loop3A_483 = arith.andi %parallel_loop3A_471, %parallel_loop3A_482 : vector<16xi32>
        %parallel_loop3A_484 = arith.constant 0 : i32
        %parallel_loop3A_485 = arith.constant 0 : i32
        %parallel_loop3A_486 = arith.constant 0 : i32
        %parallel_loop3A_487 = arith.constant 0 : i32
        %parallel_loop3A_488 = tpu.memref_slice %arg7[%parallel_loop3A_484, %parallel_loop3A_485, %parallel_loop3A_486, %parallel_loop3A_487] : memref<2x8x8x128xf32, #tpu.memory_space<vmem>> -> memref<1x8x8x128xf32, #tpu.memory_space<vmem>>
        %parallel_loop3A_489 = tpu.memref_squeeze %parallel_loop3A_488 : memref<1x8x8x128xf32, #tpu.memory_space<vmem>> -> memref<8x8x128xf32, #tpu.memory_space<vmem>>
        tpu.vector_store_idx %parallel_loop3A_489[%parallel_loop3A_480, %parallel_loop3A_483, %parallel_loop3A_427], %parallel_loop3A_477 : memref<8x8x128xf32, #tpu.memory_space<vmem>>[vector<16xi32>, vector<16xi32>, vector<16xi32>], vector<16xf32>,
        %parallel_loop3A_490 = vector.broadcast %parallel_loop3A_429 : i32 to vector<16xi32>
        %parallel_loop3A_491 = arith.addi %parallel_loop3A_490, %and3A_25 : vector<16xi32>
        %parallel_loop3A_492 = arith.constant 0 : i32
        %parallel_loop3A_493 = arith.constant 0 : i32
        %parallel_loop3A_494 = arith.constant 0 : i32
        %parallel_loop3A_495 = tpu.memref_slice %arg6[%parallel_loop3A_492, %parallel_loop3A_493, %parallel_loop3A_494] : memref<2x128x64xf32, #tpu.memory_space<vmem>> -> memref<1x128x64xf32, #tpu.memory_space<vmem>>
        %parallel_loop3A_496 = tpu.memref_squeeze %parallel_loop3A_495 : memref<1x128x64xf32, #tpu.memory_space<vmem>> -> memref<128x64xf32, #tpu.memory_space<vmem>>
        %parallel_loop3A_497 = tpu.vector_load_idx %parallel_loop3A_496[%parallel_loop3A_427, %parallel_loop3A_491] : memref<128x64xf32, #tpu.memory_space<vmem>>[vector<16xi32>, vector<16xi32>], vector<16xf32>,
        %parallel_loop3A_498 = arith.constant 3 : i32
        %parallel_loop3A_499 = vector.broadcast %parallel_loop3A_498 : i32 to vector<16xi32>
        %parallel_loop3A_500 = arith.shrsi %parallel_loop3A_491, %parallel_loop3A_499 : vector<16xi32>
        %parallel_loop3A_501 = arith.constant 7 : i32
        %parallel_loop3A_502 = vector.broadcast %parallel_loop3A_501 : i32 to vector<16xi32>
        %parallel_loop3A_503 = arith.andi %parallel_loop3A_491, %parallel_loop3A_502 : vector<16xi32>
        %parallel_loop3A_504 = arith.constant 0 : i32
        %parallel_loop3A_505 = arith.constant 0 : i32
        %parallel_loop3A_506 = arith.constant 0 : i32
        %parallel_loop3A_507 = arith.constant 0 : i32
        %parallel_loop3A_508 = tpu.memref_slice %arg7[%parallel_loop3A_504, %parallel_loop3A_505, %parallel_loop3A_506, %parallel_loop3A_507] : memref<2x8x8x128xf32, #tpu.memory_space<vmem>> -> memref<1x8x8x128xf32, #tpu.memory_space<vmem>>
        %parallel_loop3A_509 = tpu.memref_squeeze %parallel_loop3A_508 : memref<1x8x8x128xf32, #tpu.memory_space<vmem>> -> memref<8x8x128xf32, #tpu.memory_space<vmem>>
        tpu.vector_store_idx %parallel_loop3A_509[%parallel_loop3A_500, %parallel_loop3A_503, %parallel_loop3A_427], %parallel_loop3A_497 : memref<8x8x128xf32, #tpu.memory_space<vmem>>[vector<16xi32>, vector<16xi32>, vector<16xi32>], vector<16xf32>,
        %parallel_loop3A_510 = vector.broadcast %parallel_loop3A_429 : i32 to vector<16xi32>
        %parallel_loop3A_511 = arith.addi %parallel_loop3A_510, %and3A_31 : vector<16xi32>
        %parallel_loop3A_512 = arith.constant 0 : i32
        %parallel_loop3A_513 = arith.constant 0 : i32
        %parallel_loop3A_514 = arith.constant 0 : i32
        %parallel_loop3A_515 = tpu.memref_slice %arg6[%parallel_loop3A_512, %parallel_loop3A_513, %parallel_loop3A_514] : memref<2x128x64xf32, #tpu.memory_space<vmem>> -> memref<1x128x64xf32, #tpu.memory_space<vmem>>
        %parallel_loop3A_516 = tpu.memref_squeeze %parallel_loop3A_515 : memref<1x128x64xf32, #tpu.memory_space<vmem>> -> memref<128x64xf32, #tpu.memory_space<vmem>>
        %parallel_loop3A_517 = tpu.vector_load_idx %parallel_loop3A_516[%parallel_loop3A_427, %parallel_loop3A_511] : memref<128x64xf32, #tpu.memory_space<vmem>>[vector<16xi32>, vector<16xi32>], vector<16xf32>,
        %parallel_loop3A_518 = arith.constant 3 : i32
        %parallel_loop3A_519 = vector.broadcast %parallel_loop3A_518 : i32 to vector<16xi32>
        %parallel_loop3A_520 = arith.shrsi %parallel_loop3A_511, %parallel_loop3A_519 : vector<16xi32>
        %parallel_loop3A_521 = arith.constant 7 : i32
        %parallel_loop3A_522 = vector.broadcast %parallel_loop3A_521 : i32 to vector<16xi32>
        %parallel_loop3A_523 = arith.andi %parallel_loop3A_511, %parallel_loop3A_522 : vector<16xi32>
        %parallel_loop3A_524 = arith.constant 0 : i32
        %parallel_loop3A_525 = arith.constant 0 : i32
        %parallel_loop3A_526 = arith.constant 0 : i32
        %parallel_loop3A_527 = arith.constant 0 : i32
        %parallel_loop3A_528 = tpu.memref_slice %arg7[%parallel_loop3A_524, %parallel_loop3A_525, %parallel_loop3A_526, %parallel_loop3A_527] : memref<2x8x8x128xf32, #tpu.memory_space<vmem>> -> memref<1x8x8x128xf32, #tpu.memory_space<vmem>>
        %parallel_loop3A_529 = tpu.memref_squeeze %parallel_loop3A_528 : memref<1x8x8x128xf32, #tpu.memory_space<vmem>> -> memref<8x8x128xf32, #tpu.memory_space<vmem>>
        tpu.vector_store_idx %parallel_loop3A_529[%parallel_loop3A_520, %parallel_loop3A_523, %parallel_loop3A_427], %parallel_loop3A_517 : memref<8x8x128xf32, #tpu.memory_space<vmem>>[vector<16xi32>, vector<16xi32>, vector<16xi32>], vector<16xf32>,
        %parallel_loop3A_530 = vector.broadcast %parallel_loop3A_429 : i32 to vector<16xi32>
        %parallel_loop3A_531 = arith.addi %parallel_loop3A_530, %and3A_37 : vector<16xi32>
        %parallel_loop3A_532 = arith.constant 0 : i32
        %parallel_loop3A_533 = arith.constant 0 : i32
        %parallel_loop3A_534 = arith.constant 0 : i32
        %parallel_loop3A_535 = tpu.memref_slice %arg6[%parallel_loop3A_532, %parallel_loop3A_533, %parallel_loop3A_534] : memref<2x128x64xf32, #tpu.memory_space<vmem>> -> memref<1x128x64xf32, #tpu.memory_space<vmem>>
        %parallel_loop3A_536 = tpu.memref_squeeze %parallel_loop3A_535 : memref<1x128x64xf32, #tpu.memory_space<vmem>> -> memref<128x64xf32, #tpu.memory_space<vmem>>
        %parallel_loop3A_537 = tpu.vector_load_idx %parallel_loop3A_536[%parallel_loop3A_427, %parallel_loop3A_531] : memref<128x64xf32, #tpu.memory_space<vmem>>[vector<16xi32>, vector<16xi32>], vector<16xf32>,
        %parallel_loop3A_538 = arith.constant 3 : i32
        %parallel_loop3A_539 = vector.broadcast %parallel_loop3A_538 : i32 to vector<16xi32>
        %parallel_loop3A_540 = arith.shrsi %parallel_loop3A_531, %parallel_loop3A_539 : vector<16xi32>
        %parallel_loop3A_541 = arith.constant 7 : i32
        %parallel_loop3A_542 = vector.broadcast %parallel_loop3A_541 : i32 to vector<16xi32>
        %parallel_loop3A_543 = arith.andi %parallel_loop3A_531, %parallel_loop3A_542 : vector<16xi32>
        %parallel_loop3A_544 = arith.constant 0 : i32
        %parallel_loop3A_545 = arith.constant 0 : i32
        %parallel_loop3A_546 = arith.constant 0 : i32
        %parallel_loop3A_547 = arith.constant 0 : i32
        %parallel_loop3A_548 = tpu.memref_slice %arg7[%parallel_loop3A_544, %parallel_loop3A_545, %parallel_loop3A_546, %parallel_loop3A_547] : memref<2x8x8x128xf32, #tpu.memory_space<vmem>> -> memref<1x8x8x128xf32, #tpu.memory_space<vmem>>
        %parallel_loop3A_549 = tpu.memref_squeeze %parallel_loop3A_548 : memref<1x8x8x128xf32, #tpu.memory_space<vmem>> -> memref<8x8x128xf32, #tpu.memory_space<vmem>>
        tpu.vector_store_idx %parallel_loop3A_549[%parallel_loop3A_540, %parallel_loop3A_543, %parallel_loop3A_427], %parallel_loop3A_537 : memref<8x8x128xf32, #tpu.memory_space<vmem>>[vector<16xi32>, vector<16xi32>, vector<16xi32>], vector<16xf32>,
        %parallel_loop3A_550 = vector.broadcast %parallel_loop3A_429 : i32 to vector<16xi32>
        %parallel_loop3A_551 = arith.addi %parallel_loop3A_550, %and3A_43 : vector<16xi32>
        %parallel_loop3A_552 = arith.constant 0 : i32
        %parallel_loop3A_553 = arith.constant 0 : i32
        %parallel_loop3A_554 = arith.constant 0 : i32
        %parallel_loop3A_555 = tpu.memref_slice %arg6[%parallel_loop3A_552, %parallel_loop3A_553, %parallel_loop3A_554] : memref<2x128x64xf32, #tpu.memory_space<vmem>> -> memref<1x128x64xf32, #tpu.memory_space<vmem>>
        %parallel_loop3A_556 = tpu.memref_squeeze %parallel_loop3A_555 : memref<1x128x64xf32, #tpu.memory_space<vmem>> -> memref<128x64xf32, #tpu.memory_space<vmem>>
        %parallel_loop3A_557 = tpu.vector_load_idx %parallel_loop3A_556[%parallel_loop3A_427, %parallel_loop3A_551] : memref<128x64xf32, #tpu.memory_space<vmem>>[vector<16xi32>, vector<16xi32>], vector<16xf32>,
        %parallel_loop3A_558 = arith.constant 3 : i32
        %parallel_loop3A_559 = vector.broadcast %parallel_loop3A_558 : i32 to vector<16xi32>
        %parallel_loop3A_560 = arith.shrsi %parallel_loop3A_551, %parallel_loop3A_559 : vector<16xi32>
        %parallel_loop3A_561 = arith.constant 7 : i32
        %parallel_loop3A_562 = vector.broadcast %parallel_loop3A_561 : i32 to vector<16xi32>
        %parallel_loop3A_563 = arith.andi %parallel_loop3A_551, %parallel_loop3A_562 : vector<16xi32>
        %parallel_loop3A_564 = arith.constant 0 : i32
        %parallel_loop3A_565 = arith.constant 0 : i32
        %parallel_loop3A_566 = arith.constant 0 : i32
        %parallel_loop3A_567 = arith.constant 0 : i32
        %parallel_loop3A_568 = tpu.memref_slice %arg7[%parallel_loop3A_564, %parallel_loop3A_565, %parallel_loop3A_566, %parallel_loop3A_567] : memref<2x8x8x128xf32, #tpu.memory_space<vmem>> -> memref<1x8x8x128xf32, #tpu.memory_space<vmem>>
        %parallel_loop3A_569 = tpu.memref_squeeze %parallel_loop3A_568 : memref<1x8x8x128xf32, #tpu.memory_space<vmem>> -> memref<8x8x128xf32, #tpu.memory_space<vmem>>
        tpu.vector_store_idx %parallel_loop3A_569[%parallel_loop3A_560, %parallel_loop3A_563, %parallel_loop3A_427], %parallel_loop3A_557 : memref<8x8x128xf32, #tpu.memory_space<vmem>>[vector<16xi32>, vector<16xi32>, vector<16xi32>], vector<16xf32>,
        %parallel_loop3A_570 = vector.broadcast %parallel_loop3A_429 : i32 to vector<16xi32>
        %parallel_loop3A_571 = arith.addi %parallel_loop3A_570, %and3A_49 : vector<16xi32>
        %parallel_loop3A_572 = arith.constant 0 : i32
        %parallel_loop3A_573 = arith.constant 0 : i32
        %parallel_loop3A_574 = arith.constant 0 : i32
        %parallel_loop3A_575 = tpu.memref_slice %arg6[%parallel_loop3A_572, %parallel_loop3A_573, %parallel_loop3A_574] : memref<2x128x64xf32, #tpu.memory_space<vmem>> -> memref<1x128x64xf32, #tpu.memory_space<vmem>>
        %parallel_loop3A_576 = tpu.memref_squeeze %parallel_loop3A_575 : memref<1x128x64xf32, #tpu.memory_space<vmem>> -> memref<128x64xf32, #tpu.memory_space<vmem>>
        %parallel_loop3A_577 = tpu.vector_load_idx %parallel_loop3A_576[%parallel_loop3A_427, %parallel_loop3A_571] : memref<128x64xf32, #tpu.memory_space<vmem>>[vector<16xi32>, vector<16xi32>], vector<16xf32>,
        %parallel_loop3A_578 = arith.constant 3 : i32
        %parallel_loop3A_579 = vector.broadcast %parallel_loop3A_578 : i32 to vector<16xi32>
        %parallel_loop3A_580 = arith.shrsi %parallel_loop3A_571, %parallel_loop3A_579 : vector<16xi32>
        %parallel_loop3A_581 = arith.constant 7 : i32
        %parallel_loop3A_582 = vector.broadcast %parallel_loop3A_581 : i32 to vector<16xi32>
        %parallel_loop3A_583 = arith.andi %parallel_loop3A_571, %parallel_loop3A_582 : vector<16xi32>
        %parallel_loop3A_584 = arith.constant 0 : i32
        %parallel_loop3A_585 = arith.constant 0 : i32
        %parallel_loop3A_586 = arith.constant 0 : i32
        %parallel_loop3A_587 = arith.constant 0 : i32
        %parallel_loop3A_588 = tpu.memref_slice %arg7[%parallel_loop3A_584, %parallel_loop3A_585, %parallel_loop3A_586, %parallel_loop3A_587] : memref<2x8x8x128xf32, #tpu.memory_space<vmem>> -> memref<1x8x8x128xf32, #tpu.memory_space<vmem>>
        %parallel_loop3A_589 = tpu.memref_squeeze %parallel_loop3A_588 : memref<1x8x8x128xf32, #tpu.memory_space<vmem>> -> memref<8x8x128xf32, #tpu.memory_space<vmem>>
        tpu.vector_store_idx %parallel_loop3A_589[%parallel_loop3A_580, %parallel_loop3A_583, %parallel_loop3A_427], %parallel_loop3A_577 : memref<8x8x128xf32, #tpu.memory_space<vmem>>[vector<16xi32>, vector<16xi32>, vector<16xi32>], vector<16xf32>,
        %parallel_loop3A_590 = vector.broadcast %parallel_loop3A_429 : i32 to vector<16xi32>
        %parallel_loop3A_591 = arith.addi %parallel_loop3A_590, %and3A_55 : vector<16xi32>
        %parallel_loop3A_592 = arith.constant 0 : i32
        %parallel_loop3A_593 = arith.constant 0 : i32
        %parallel_loop3A_594 = arith.constant 0 : i32
        %parallel_loop3A_595 = tpu.memref_slice %arg6[%parallel_loop3A_592, %parallel_loop3A_593, %parallel_loop3A_594] : memref<2x128x64xf32, #tpu.memory_space<vmem>> -> memref<1x128x64xf32, #tpu.memory_space<vmem>>
        %parallel_loop3A_596 = tpu.memref_squeeze %parallel_loop3A_595 : memref<1x128x64xf32, #tpu.memory_space<vmem>> -> memref<128x64xf32, #tpu.memory_space<vmem>>
        %parallel_loop3A_597 = tpu.vector_load_idx %parallel_loop3A_596[%parallel_loop3A_427, %parallel_loop3A_591] : memref<128x64xf32, #tpu.memory_space<vmem>>[vector<16xi32>, vector<16xi32>], vector<16xf32>,
        %parallel_loop3A_598 = arith.constant 3 : i32
        %parallel_loop3A_599 = vector.broadcast %parallel_loop3A_598 : i32 to vector<16xi32>
        %parallel_loop3A_600 = arith.shrsi %parallel_loop3A_591, %parallel_loop3A_599 : vector<16xi32>
        %parallel_loop3A_601 = arith.constant 7 : i32
        %parallel_loop3A_602 = vector.broadcast %parallel_loop3A_601 : i32 to vector<16xi32>
        %parallel_loop3A_603 = arith.andi %parallel_loop3A_591, %parallel_loop3A_602 : vector<16xi32>
        %parallel_loop3A_604 = arith.constant 0 : i32
        %parallel_loop3A_605 = arith.constant 0 : i32
        %parallel_loop3A_606 = arith.constant 0 : i32
        %parallel_loop3A_607 = arith.constant 0 : i32
        %parallel_loop3A_608 = tpu.memref_slice %arg7[%parallel_loop3A_604, %parallel_loop3A_605, %parallel_loop3A_606, %parallel_loop3A_607] : memref<2x8x8x128xf32, #tpu.memory_space<vmem>> -> memref<1x8x8x128xf32, #tpu.memory_space<vmem>>
        %parallel_loop3A_609 = tpu.memref_squeeze %parallel_loop3A_608 : memref<1x8x8x128xf32, #tpu.memory_space<vmem>> -> memref<8x8x128xf32, #tpu.memory_space<vmem>>
        tpu.vector_store_idx %parallel_loop3A_609[%parallel_loop3A_600, %parallel_loop3A_603, %parallel_loop3A_427], %parallel_loop3A_597 : memref<8x8x128xf32, #tpu.memory_space<vmem>>[vector<16xi32>, vector<16xi32>, vector<16xi32>], vector<16xf32>,
        %parallel_loop3A_610 = vector.broadcast %parallel_loop3A_429 : i32 to vector<16xi32>
        %parallel_loop3A_611 = arith.addi %parallel_loop3A_610, %and3A_61 : vector<16xi32>
        %parallel_loop3A_612 = arith.constant 0 : i32
        %parallel_loop3A_613 = arith.constant 0 : i32
        %parallel_loop3A_614 = arith.constant 0 : i32
        %parallel_loop3A_615 = tpu.memref_slice %arg6[%parallel_loop3A_612, %parallel_loop3A_613, %parallel_loop3A_614] : memref<2x128x64xf32, #tpu.memory_space<vmem>> -> memref<1x128x64xf32, #tpu.memory_space<vmem>>
        %parallel_loop3A_616 = tpu.memref_squeeze %parallel_loop3A_615 : memref<1x128x64xf32, #tpu.memory_space<vmem>> -> memref<128x64xf32, #tpu.memory_space<vmem>>
        %parallel_loop3A_617 = tpu.vector_load_idx %parallel_loop3A_616[%parallel_loop3A_427, %parallel_loop3A_611] : memref<128x64xf32, #tpu.memory_space<vmem>>[vector<16xi32>, vector<16xi32>], vector<16xf32>,
        %parallel_loop3A_618 = arith.constant 3 : i32
        %parallel_loop3A_619 = vector.broadcast %parallel_loop3A_618 : i32 to vector<16xi32>
        %parallel_loop3A_620 = arith.shrsi %parallel_loop3A_611, %parallel_loop3A_619 : vector<16xi32>
        %parallel_loop3A_621 = arith.constant 7 : i32
        %parallel_loop3A_622 = vector.broadcast %parallel_loop3A_621 : i32 to vector<16xi32>
        %parallel_loop3A_623 = arith.andi %parallel_loop3A_611, %parallel_loop3A_622 : vector<16xi32>
        %parallel_loop3A_624 = arith.constant 0 : i32
        %parallel_loop3A_625 = arith.constant 0 : i32
        %parallel_loop3A_626 = arith.constant 0 : i32
        %parallel_loop3A_627 = arith.constant 0 : i32
        %parallel_loop3A_628 = tpu.memref_slice %arg7[%parallel_loop3A_624, %parallel_loop3A_625, %parallel_loop3A_626, %parallel_loop3A_627] : memref<2x8x8x128xf32, #tpu.memory_space<vmem>> -> memref<1x8x8x128xf32, #tpu.memory_space<vmem>>
        %parallel_loop3A_629 = tpu.memref_squeeze %parallel_loop3A_628 : memref<1x8x8x128xf32, #tpu.memory_space<vmem>> -> memref<8x8x128xf32, #tpu.memory_space<vmem>>
        tpu.vector_store_idx %parallel_loop3A_629[%parallel_loop3A_620, %parallel_loop3A_623, %parallel_loop3A_427], %parallel_loop3A_617 : memref<8x8x128xf32, #tpu.memory_space<vmem>>[vector<16xi32>, vector<16xi32>, vector<16xi32>], vector<16xf32>,
        %parallel_loop3A_630 = vector.broadcast %parallel_loop3A_429 : i32 to vector<16xi32>
        %parallel_loop3A_631 = arith.addi %parallel_loop3A_630, %and3A_67 : vector<16xi32>
        %parallel_loop3A_632 = arith.constant 0 : i32
        %parallel_loop3A_633 = arith.constant 0 : i32
        %parallel_loop3A_634 = arith.constant 0 : i32
        %parallel_loop3A_635 = tpu.memref_slice %arg6[%parallel_loop3A_632, %parallel_loop3A_633, %parallel_loop3A_634] : memref<2x128x64xf32, #tpu.memory_space<vmem>> -> memref<1x128x64xf32, #tpu.memory_space<vmem>>
        %parallel_loop3A_636 = tpu.memref_squeeze %parallel_loop3A_635 : memref<1x128x64xf32, #tpu.memory_space<vmem>> -> memref<128x64xf32, #tpu.memory_space<vmem>>
        %parallel_loop3A_637 = tpu.vector_load_idx %parallel_loop3A_636[%parallel_loop3A_427, %parallel_loop3A_631] : memref<128x64xf32, #tpu.memory_space<vmem>>[vector<16xi32>, vector<16xi32>], vector<16xf32>,
        %parallel_loop3A_638 = arith.constant 3 : i32
        %parallel_loop3A_639 = vector.broadcast %parallel_loop3A_638 : i32 to vector<16xi32>
        %parallel_loop3A_640 = arith.shrsi %parallel_loop3A_631, %parallel_loop3A_639 : vector<16xi32>
        %parallel_loop3A_641 = arith.constant 7 : i32
        %parallel_loop3A_642 = vector.broadcast %parallel_loop3A_641 : i32 to vector<16xi32>
        %parallel_loop3A_643 = arith.andi %parallel_loop3A_631, %parallel_loop3A_642 : vector<16xi32>
        %parallel_loop3A_644 = arith.constant 0 : i32
        %parallel_loop3A_645 = arith.constant 0 : i32
        %parallel_loop3A_646 = arith.constant 0 : i32
        %parallel_loop3A_647 = arith.constant 0 : i32
        %parallel_loop3A_648 = tpu.memref_slice %arg7[%parallel_loop3A_644, %parallel_loop3A_645, %parallel_loop3A_646, %parallel_loop3A_647] : memref<2x8x8x128xf32, #tpu.memory_space<vmem>> -> memref<1x8x8x128xf32, #tpu.memory_space<vmem>>
        %parallel_loop3A_649 = tpu.memref_squeeze %parallel_loop3A_648 : memref<1x8x8x128xf32, #tpu.memory_space<vmem>> -> memref<8x8x128xf32, #tpu.memory_space<vmem>>
        tpu.vector_store_idx %parallel_loop3A_649[%parallel_loop3A_640, %parallel_loop3A_643, %parallel_loop3A_427], %parallel_loop3A_637 : memref<8x8x128xf32, #tpu.memory_space<vmem>>[vector<16xi32>, vector<16xi32>, vector<16xi32>], vector<16xf32>,
        %parallel_loop3A_650 = vector.broadcast %parallel_loop3A_429 : i32 to vector<16xi32>
        %parallel_loop3A_651 = arith.addi %parallel_loop3A_650, %and3A_73 : vector<16xi32>
        %parallel_loop3A_652 = arith.constant 0 : i32
        %parallel_loop3A_653 = arith.constant 0 : i32
        %parallel_loop3A_654 = arith.constant 0 : i32
        %parallel_loop3A_655 = tpu.memref_slice %arg6[%parallel_loop3A_652, %parallel_loop3A_653, %parallel_loop3A_654] : memref<2x128x64xf32, #tpu.memory_space<vmem>> -> memref<1x128x64xf32, #tpu.memory_space<vmem>>
        %parallel_loop3A_656 = tpu.memref_squeeze %parallel_loop3A_655 : memref<1x128x64xf32, #tpu.memory_space<vmem>> -> memref<128x64xf32, #tpu.memory_space<vmem>>
        %parallel_loop3A_657 = tpu.vector_load_idx %parallel_loop3A_656[%parallel_loop3A_427, %parallel_loop3A_651] : memref<128x64xf32, #tpu.memory_space<vmem>>[vector<16xi32>, vector<16xi32>], vector<16xf32>,
        %parallel_loop3A_658 = arith.constant 3 : i32
        %parallel_loop3A_659 = vector.broadcast %parallel_loop3A_658 : i32 to vector<16xi32>
        %parallel_loop3A_660 = arith.shrsi %parallel_loop3A_651, %parallel_loop3A_659 : vector<16xi32>
        %parallel_loop3A_661 = arith.constant 7 : i32
        %parallel_loop3A_662 = vector.broadcast %parallel_loop3A_661 : i32 to vector<16xi32>
        %parallel_loop3A_663 = arith.andi %parallel_loop3A_651, %parallel_loop3A_662 : vector<16xi32>
        %parallel_loop3A_664 = arith.constant 0 : i32
        %parallel_loop3A_665 = arith.constant 0 : i32
        %parallel_loop3A_666 = arith.constant 0 : i32
        %parallel_loop3A_667 = arith.constant 0 : i32
        %parallel_loop3A_668 = tpu.memref_slice %arg7[%parallel_loop3A_664, %parallel_loop3A_665, %parallel_loop3A_666, %parallel_loop3A_667] : memref<2x8x8x128xf32, #tpu.memory_space<vmem>> -> memref<1x8x8x128xf32, #tpu.memory_space<vmem>>
        %parallel_loop3A_669 = tpu.memref_squeeze %parallel_loop3A_668 : memref<1x8x8x128xf32, #tpu.memory_space<vmem>> -> memref<8x8x128xf32, #tpu.memory_space<vmem>>
        tpu.vector_store_idx %parallel_loop3A_669[%parallel_loop3A_660, %parallel_loop3A_663, %parallel_loop3A_427], %parallel_loop3A_657 : memref<8x8x128xf32, #tpu.memory_space<vmem>>[vector<16xi32>, vector<16xi32>, vector<16xi32>], vector<16xf32>,
        %parallel_loop3A_670 = vector.broadcast %parallel_loop3A_429 : i32 to vector<16xi32>
        %parallel_loop3A_671 = arith.addi %parallel_loop3A_670, %and3A_79 : vector<16xi32>
        %parallel_loop3A_672 = arith.constant 0 : i32
        %parallel_loop3A_673 = arith.constant 0 : i32
        %parallel_loop3A_674 = arith.constant 0 : i32
        %parallel_loop3A_675 = tpu.memref_slice %arg6[%parallel_loop3A_672, %parallel_loop3A_673, %parallel_loop3A_674] : memref<2x128x64xf32, #tpu.memory_space<vmem>> -> memref<1x128x64xf32, #tpu.memory_space<vmem>>
        %parallel_loop3A_676 = tpu.memref_squeeze %parallel_loop3A_675 : memref<1x128x64xf32, #tpu.memory_space<vmem>> -> memref<128x64xf32, #tpu.memory_space<vmem>>
        %parallel_loop3A_677 = tpu.vector_load_idx %parallel_loop3A_676[%parallel_loop3A_427, %parallel_loop3A_671] : memref<128x64xf32, #tpu.memory_space<vmem>>[vector<16xi32>, vector<16xi32>], vector<16xf32>,
        %parallel_loop3A_678 = arith.constant 3 : i32
        %parallel_loop3A_679 = vector.broadcast %parallel_loop3A_678 : i32 to vector<16xi32>
        %parallel_loop3A_680 = arith.shrsi %parallel_loop3A_671, %parallel_loop3A_679 : vector<16xi32>
        %parallel_loop3A_681 = arith.constant 7 : i32
        %parallel_loop3A_682 = vector.broadcast %parallel_loop3A_681 : i32 to vector<16xi32>
        %parallel_loop3A_683 = arith.andi %parallel_loop3A_671, %parallel_loop3A_682 : vector<16xi32>
        %parallel_loop3A_684 = arith.constant 0 : i32
        %parallel_loop3A_685 = arith.constant 0 : i32
        %parallel_loop3A_686 = arith.constant 0 : i32
        %parallel_loop3A_687 = arith.constant 0 : i32
        %parallel_loop3A_688 = tpu.memref_slice %arg7[%parallel_loop3A_684, %parallel_loop3A_685, %parallel_loop3A_686, %parallel_loop3A_687] : memref<2x8x8x128xf32, #tpu.memory_space<vmem>> -> memref<1x8x8x128xf32, #tpu.memory_space<vmem>>
        %parallel_loop3A_689 = tpu.memref_squeeze %parallel_loop3A_688 : memref<1x8x8x128xf32, #tpu.memory_space<vmem>> -> memref<8x8x128xf32, #tpu.memory_space<vmem>>
        tpu.vector_store_idx %parallel_loop3A_689[%parallel_loop3A_680, %parallel_loop3A_683, %parallel_loop3A_427], %parallel_loop3A_677 : memref<8x8x128xf32, #tpu.memory_space<vmem>>[vector<16xi32>, vector<16xi32>, vector<16xi32>], vector<16xf32>,
        %parallel_loop3A_690 = vector.broadcast %parallel_loop3A_429 : i32 to vector<16xi32>
        %parallel_loop3A_691 = arith.addi %parallel_loop3A_690, %and3A_85 : vector<16xi32>
        %parallel_loop3A_692 = arith.constant 0 : i32
        %parallel_loop3A_693 = arith.constant 0 : i32
        %parallel_loop3A_694 = arith.constant 0 : i32
        %parallel_loop3A_695 = tpu.memref_slice %arg6[%parallel_loop3A_692, %parallel_loop3A_693, %parallel_loop3A_694] : memref<2x128x64xf32, #tpu.memory_space<vmem>> -> memref<1x128x64xf32, #tpu.memory_space<vmem>>
        %parallel_loop3A_696 = tpu.memref_squeeze %parallel_loop3A_695 : memref<1x128x64xf32, #tpu.memory_space<vmem>> -> memref<128x64xf32, #tpu.memory_space<vmem>>
        %parallel_loop3A_697 = tpu.vector_load_idx %parallel_loop3A_696[%parallel_loop3A_427, %parallel_loop3A_691] : memref<128x64xf32, #tpu.memory_space<vmem>>[vector<16xi32>, vector<16xi32>], vector<16xf32>,
        %parallel_loop3A_698 = arith.constant 3 : i32
        %parallel_loop3A_699 = vector.broadcast %parallel_loop3A_698 : i32 to vector<16xi32>
        %parallel_loop3A_700 = arith.shrsi %parallel_loop3A_691, %parallel_loop3A_699 : vector<16xi32>
        %parallel_loop3A_701 = arith.constant 7 : i32
        %parallel_loop3A_702 = vector.broadcast %parallel_loop3A_701 : i32 to vector<16xi32>
        %parallel_loop3A_703 = arith.andi %parallel_loop3A_691, %parallel_loop3A_702 : vector<16xi32>
        %parallel_loop3A_704 = arith.constant 0 : i32
        %parallel_loop3A_705 = arith.constant 0 : i32
        %parallel_loop3A_706 = arith.constant 0 : i32
        %parallel_loop3A_707 = arith.constant 0 : i32
        %parallel_loop3A_708 = tpu.memref_slice %arg7[%parallel_loop3A_704, %parallel_loop3A_705, %parallel_loop3A_706, %parallel_loop3A_707] : memref<2x8x8x128xf32, #tpu.memory_space<vmem>> -> memref<1x8x8x128xf32, #tpu.memory_space<vmem>>
        %parallel_loop3A_709 = tpu.memref_squeeze %parallel_loop3A_708 : memref<1x8x8x128xf32, #tpu.memory_space<vmem>> -> memref<8x8x128xf32, #tpu.memory_space<vmem>>
        tpu.vector_store_idx %parallel_loop3A_709[%parallel_loop3A_700, %parallel_loop3A_703, %parallel_loop3A_427], %parallel_loop3A_697 : memref<8x8x128xf32, #tpu.memory_space<vmem>>[vector<16xi32>, vector<16xi32>, vector<16xi32>], vector<16xf32>,
        %parallel_loop3A_710 = vector.broadcast %parallel_loop3A_429 : i32 to vector<16xi32>
        %parallel_loop3A_711 = arith.addi %parallel_loop3A_710, %and3A_91 : vector<16xi32>
        %parallel_loop3A_712 = arith.constant 0 : i32
        %parallel_loop3A_713 = arith.constant 0 : i32
        %parallel_loop3A_714 = arith.constant 0 : i32
        %parallel_loop3A_715 = tpu.memref_slice %arg6[%parallel_loop3A_712, %parallel_loop3A_713, %parallel_loop3A_714] : memref<2x128x64xf32, #tpu.memory_space<vmem>> -> memref<1x128x64xf32, #tpu.memory_space<vmem>>
        %parallel_loop3A_716 = tpu.memref_squeeze %parallel_loop3A_715 : memref<1x128x64xf32, #tpu.memory_space<vmem>> -> memref<128x64xf32, #tpu.memory_space<vmem>>
        %parallel_loop3A_717 = tpu.vector_load_idx %parallel_loop3A_716[%parallel_loop3A_427, %parallel_loop3A_711] : memref<128x64xf32, #tpu.memory_space<vmem>>[vector<16xi32>, vector<16xi32>], vector<16xf32>,
        %parallel_loop3A_718 = arith.constant 3 : i32
        %parallel_loop3A_719 = vector.broadcast %parallel_loop3A_718 : i32 to vector<16xi32>
        %parallel_loop3A_720 = arith.shrsi %parallel_loop3A_711, %parallel_loop3A_719 : vector<16xi32>
        %parallel_loop3A_721 = arith.constant 7 : i32
        %parallel_loop3A_722 = vector.broadcast %parallel_loop3A_721 : i32 to vector<16xi32>
        %parallel_loop3A_723 = arith.andi %parallel_loop3A_711, %parallel_loop3A_722 : vector<16xi32>
        %parallel_loop3A_724 = arith.constant 0 : i32
        %parallel_loop3A_725 = arith.constant 0 : i32
        %parallel_loop3A_726 = arith.constant 0 : i32
        %parallel_loop3A_727 = arith.constant 0 : i32
        %parallel_loop3A_728 = tpu.memref_slice %arg7[%parallel_loop3A_724, %parallel_loop3A_725, %parallel_loop3A_726, %parallel_loop3A_727] : memref<2x8x8x128xf32, #tpu.memory_space<vmem>> -> memref<1x8x8x128xf32, #tpu.memory_space<vmem>>
        %parallel_loop3A_729 = tpu.memref_squeeze %parallel_loop3A_728 : memref<1x8x8x128xf32, #tpu.memory_space<vmem>> -> memref<8x8x128xf32, #tpu.memory_space<vmem>>
        tpu.vector_store_idx %parallel_loop3A_729[%parallel_loop3A_720, %parallel_loop3A_723, %parallel_loop3A_427], %parallel_loop3A_717 : memref<8x8x128xf32, #tpu.memory_space<vmem>>[vector<16xi32>, vector<16xi32>, vector<16xi32>], vector<16xf32>,
        %parallel_loop3A_730 = vector.broadcast %parallel_loop3A_429 : i32 to vector<16xi32>
        %parallel_loop3A_731 = arith.addi %parallel_loop3A_730, %and3A_97 : vector<16xi32>
        %parallel_loop3A_732 = arith.constant 0 : i32
        %parallel_loop3A_733 = arith.constant 0 : i32
        %parallel_loop3A_734 = arith.constant 0 : i32
        %parallel_loop3A_735 = tpu.memref_slice %arg6[%parallel_loop3A_732, %parallel_loop3A_733, %parallel_loop3A_734] : memref<2x128x64xf32, #tpu.memory_space<vmem>> -> memref<1x128x64xf32, #tpu.memory_space<vmem>>
        %parallel_loop3A_736 = tpu.memref_squeeze %parallel_loop3A_735 : memref<1x128x64xf32, #tpu.memory_space<vmem>> -> memref<128x64xf32, #tpu.memory_space<vmem>>
        %parallel_loop3A_737 = tpu.vector_load_idx %parallel_loop3A_736[%parallel_loop3A_427, %parallel_loop3A_731] : memref<128x64xf32, #tpu.memory_space<vmem>>[vector<16xi32>, vector<16xi32>], vector<16xf32>,
        %parallel_loop3A_738 = arith.constant 3 : i32
        %parallel_loop3A_739 = vector.broadcast %parallel_loop3A_738 : i32 to vector<16xi32>
        %parallel_loop3A_740 = arith.shrsi %parallel_loop3A_731, %parallel_loop3A_739 : vector<16xi32>
        %parallel_loop3A_741 = arith.constant 7 : i32
        %parallel_loop3A_742 = vector.broadcast %parallel_loop3A_741 : i32 to vector<16xi32>
        %parallel_loop3A_743 = arith.andi %parallel_loop3A_731, %parallel_loop3A_742 : vector<16xi32>
        %parallel_loop3A_744 = arith.constant 0 : i32
        %parallel_loop3A_745 = arith.constant 0 : i32
        %parallel_loop3A_746 = arith.constant 0 : i32
        %parallel_loop3A_747 = arith.constant 0 : i32
        %parallel_loop3A_748 = tpu.memref_slice %arg7[%parallel_loop3A_744, %parallel_loop3A_745, %parallel_loop3A_746, %parallel_loop3A_747] : memref<2x8x8x128xf32, #tpu.memory_space<vmem>> -> memref<1x8x8x128xf32, #tpu.memory_space<vmem>>
        %parallel_loop3A_749 = tpu.memref_squeeze %parallel_loop3A_748 : memref<1x8x8x128xf32, #tpu.memory_space<vmem>> -> memref<8x8x128xf32, #tpu.memory_space<vmem>>
        tpu.vector_store_idx %parallel_loop3A_749[%parallel_loop3A_740, %parallel_loop3A_743, %parallel_loop3A_427], %parallel_loop3A_737 : memref<8x8x128xf32, #tpu.memory_space<vmem>>[vector<16xi32>, vector<16xi32>, vector<16xi32>], vector<16xf32>,
      } {sc.loop_unroll_factor = 2 : i64, sc.parallel_access}
      %add3A_191 = arith.addi %mul3A_2, %mul3A_161 : i32
      %jit3A = arith.constant 256 : i32
      %div3A = arith.divsi %add3A_191, %jit3A : i32
      %sign3A = arith.constant 0 : i32
      %sign3A_192 = arith.cmpi sgt, %add3A_191, %sign3A : i32
      %sign3A_193 = arith.extui %sign3A_192 : i1 to i32
      %sign3A_194 = arith.constant 0 : i32
      %sign3A_195 = arith.cmpi slt, %add3A_191, %sign3A_194 : i32
      %sign3A_196 = arith.extui %sign3A_195 : i1 to i32
      %sign3A_197 = arith.subi %sign3A_193, %sign3A_196 : i32
      %sign3A_198 = arith.constant 0 : i32
      %sign3A_199 = arith.cmpi sgt, %jit3A, %sign3A_198 : i32
      %sign3A_200 = arith.extui %sign3A_199 : i1 to i32
      %sign3A_201 = arith.constant 0 : i32
      %sign3A_202 = arith.cmpi slt, %jit3A, %sign3A_201 : i32
      %sign3A_203 = arith.extui %sign3A_202 : i1 to i32
      %sign3A_204 = arith.subi %sign3A_200, %sign3A_203 : i32
      %ne3A = arith.cmpi ne, %sign3A_197, %sign3A_204 : i32
      %rem3A = arith.remsi %add3A_191, %jit3A : i32
      %ne3A_205 = arith.constant 0 : i32
      %ne3A_206 = arith.cmpi ne, %rem3A, %ne3A_205 : i32
      %and3A_207 = arith.andi %ne3A, %ne3A_206 : i1
      %sub3A = arith.constant 1 : i32
      %sub3A_208 = arith.subi %div3A, %sub3A : i32
      %select_n3A = arith.select %and3A_207, %sub3A_208, %div3A : i32
      %jit3A_209 = arith.constant 8 : i32
      %div3A_210 = arith.divsi %add3A_191, %jit3A_209 : i32
      %sign3A_211 = arith.constant 0 : i32
      %sign3A_212 = arith.cmpi sgt, %add3A_191, %sign3A_211 : i32
      %sign3A_213 = arith.extui %sign3A_212 : i1 to i32
      %sign3A_214 = arith.constant 0 : i32
      %sign3A_215 = arith.cmpi slt, %add3A_191, %sign3A_214 : i32
      %sign3A_216 = arith.extui %sign3A_215 : i1 to i32
      %sign3A_217 = arith.subi %sign3A_213, %sign3A_216 : i32
      %sign3A_218 = arith.constant 0 : i32
      %sign3A_219 = arith.cmpi sgt, %jit3A_209, %sign3A_218 : i32
      %sign3A_220 = arith.extui %sign3A_219 : i1 to i32
      %sign3A_221 = arith.constant 0 : i32
      %sign3A_222 = arith.cmpi slt, %jit3A_209, %sign3A_221 : i32
      %sign3A_223 = arith.extui %sign3A_222 : i1 to i32
      %sign3A_224 = arith.subi %sign3A_220, %sign3A_223 : i32
      %ne3A_225 = arith.cmpi ne, %sign3A_217, %sign3A_224 : i32
      %rem3A_226 = arith.remsi %add3A_191, %jit3A_209 : i32
      %ne3A_227 = arith.constant 0 : i32
      %ne3A_228 = arith.cmpi ne, %rem3A_226, %ne3A_227 : i32
      %and3A_229 = arith.andi %ne3A_225, %ne3A_228 : i1
      %sub3A_230 = arith.constant 1 : i32
      %sub3A_231 = arith.subi %div3A_210, %sub3A_230 : i32
      %select_n3A_232 = arith.select %and3A_229, %sub3A_231, %div3A_210 : i32
      %jit3A_233 = arith.constant 32 : i32
      %eq3A = arith.constant 0 : i32
      %eq3A_234 = arith.cmpi eq, %jit3A_233, %eq3A : i32
      %jit3A_235 = arith.constant 1 : i32
      %select_n3A_236 = arith.select %eq3A_234, %jit3A_235, %jit3A_233 : i32
      %rem3A_237 = arith.remsi %select_n3A_232, %select_n3A_236 : i32
      %ne3A_238 = arith.constant 0 : i32
      %ne3A_239 = arith.cmpi ne, %rem3A_237, %ne3A_238 : i32
      %lt3A = arith.constant 0 : i32
      %lt3A_240 = arith.cmpi slt, %rem3A_237, %lt3A : i32
      %lt3A_241 = arith.constant 0 : i32
      %lt3A_242 = arith.cmpi slt, %select_n3A_236, %lt3A_241 : i32
      %ne3A_243 = arith.xori %lt3A_240, %lt3A_242 : i1
      %and3A_244 = arith.andi %ne3A_243, %ne3A_239 : i1
      %add3A_245 = arith.addi %rem3A_237, %select_n3A_236 : i32
      %select_n3A_246 = arith.select %and3A_244, %add3A_245, %rem3A_237 : i32
      %jit3A_247 = arith.constant 8 : i32
      %eq3A_248 = arith.constant 0 : i32
      %eq3A_249 = arith.cmpi eq, %jit3A_247, %eq3A_248 : i32
      %jit3A_250 = arith.constant 1 : i32
      %select_n3A_251 = arith.select %eq3A_249, %jit3A_250, %jit3A_247 : i32
      %rem3A_252 = arith.remsi %add3A_191, %select_n3A_251 : i32
      %ne3A_253 = arith.constant 0 : i32
      %ne3A_254 = arith.cmpi ne, %rem3A_252, %ne3A_253 : i32
      %lt3A_255 = arith.constant 0 : i32
      %lt3A_256 = arith.cmpi slt, %rem3A_252, %lt3A_255 : i32
      %lt3A_257 = arith.constant 0 : i32
      %lt3A_258 = arith.cmpi slt, %select_n3A_251, %lt3A_257 : i32
      %ne3A_259 = arith.xori %lt3A_256, %lt3A_258 : i1
      %and3A_260 = arith.andi %ne3A_259, %ne3A_254 : i1
      %add3A_261 = arith.addi %rem3A_252, %select_n3A_251 : i32
      %select_n3A_262 = arith.select %and3A_260, %add3A_261, %rem3A_252 : i32
      %mul3A_263 = arith.constant 8 : i32
      %mul3A_264 = arith.muli %select_n3A, %mul3A_263 : i32
      %add3A_265 = arith.addi %mul3A_264, %select_n3A_262 : i32
      %dma_start3A_266 = arith.constant 0 : i32
      %dma_start3A_267 = arith.constant 0 : i32
      %dma_start3A_268 = arith.constant 0 : i32
      %dma_start3A_269 = arith.constant 0 : i32
      %dma_start3A_270 = tpu.memref_slice %arg7[%dma_start3A_266, %dma_start3A_267, %dma_start3A_268, %dma_start3A_269] : memref<2x8x8x128xf32, #tpu.memory_space<vmem>> -> memref<1x8x8x128xf32, #tpu.memory_space<vmem>>
      %dma_start3A_271 = tpu.memref_squeeze %dma_start3A_270 : memref<1x8x8x128xf32, #tpu.memory_space<vmem>> -> memref<8x8x128xf32, #tpu.memory_space<vmem>>
      %dma_start3A_272 = arith.constant 0 : i32
      %dma_start3A_273 = arith.constant 0 : i32
      %dma_start3A_274 = arith.constant 0 : i32
      %dma_start3A_275 = tpu.memref_slice %arg4[%add3A_265, %dma_start3A_272, %select_n3A_246, %dma_start3A_273, %dma_start3A_274] : memref<200x8x32x8x128xf32, #tpu.memory_space<hbm>> -> memref<1x8x1x8x128xf32, #tpu.memory_space<hbm>>
      %dma_start3A_276 = tpu.memref_squeeze %dma_start3A_275 : memref<1x8x1x8x128xf32, #tpu.memory_space<hbm>> -> memref<8x8x128xf32, #tpu.memory_space<hbm>>
      %dma_start3A_277 = arith.constant 0 : i32
      %dma_start3A_278 = arith.constant 0 : i32
      %dma_start3A_279 = arith.constant 0 : i32
      %dma_start3A_280 = tpu.memref_slice %arg4[%add3A_265, %dma_start3A_277, %select_n3A_246, %dma_start3A_278, %dma_start3A_279] : memref<200x8x32x8x128xf32, #tpu.memory_space<hbm>> -> memref<1x8x1x8x128xf32, #tpu.memory_space<hbm>>
      %dma_start3A_281 = tpu.memref_squeeze %dma_start3A_280 : memref<1x8x1x8x128xf32, #tpu.memory_space<hbm>> -> memref<8x8x128xf32, #tpu.memory_space<hbm>>
      %dma_start3A_282 = arith.constant 0 : i32
      %dma_start3A_283 = arith.constant 0 : i32
      %dma_start3A_284 = arith.constant 0 : i32
      %dma_start3A_285 = tpu.memref_slice %arg7[%dma_start3A_266, %dma_start3A_282, %dma_start3A_283, %dma_start3A_284] : memref<2x8x8x128xf32, #tpu.memory_space<vmem>> -> memref<1x8x8x128xf32, #tpu.memory_space<vmem>>
      %dma_start3A_286 = tpu.memref_squeeze %dma_start3A_285 : memref<1x8x8x128xf32, #tpu.memory_space<vmem>> -> memref<8x8x128xf32, #tpu.memory_space<vmem>>
      tpu.enqueue_dma source(%dma_start3A_286 : memref<8x8x128xf32, #tpu.memory_space<vmem>>) target(%dma_start3A_281 : memref<8x8x128xf32, #tpu.memory_space<hbm>>) target_semaphore(%arg10 : memref<!tpu.dma_semaphore, #tpu.memory_space<semaphore_mem>>)
      %add3A_287 = arith.constant 1 : i32
      %add3A_288 = arith.addi %scan3A_159, %add3A_287 : i32
      %lt3A_289 = arith.constant 100 : i32
      %lt3A_290 = arith.cmpi slt, %add3A_288, %lt3A_289 : i32
      %convert_element_type3A_291 = arith.extui %lt3A_290 : i1 to i32
      %cond3A_292 = arith.constant 0 : i32
      %cond3A_293 = arith.cmpi ne, %convert_element_type3A_291, %cond3A_292 : i32
      scf.if %cond3A_293 {
        %add3A_419 = arith.constant 2 : i32
        %add3A_420 = arith.addi %mul3A_161, %add3A_419 : i32
        %dma_start3A_421 = arith.constant 0 : i32
        %dma_start3A_422 = arith.constant 0 : i32
        %dma_start3A_423 = arith.constant 0 : i32
        %dma_start3A_424 = tpu.memref_slice %arg6[%dma_start3A_421, %dma_start3A_422, %dma_start3A_423] : memref<2x128x64xf32, #tpu.memory_space<vmem>> -> memref<1x128x64xf32, #tpu.memory_space<vmem>>
        %dma_start3A_425 = tpu.memref_squeeze %dma_start3A_424 : memref<1x128x64xf32, #tpu.memory_space<vmem>> -> memref<128x64xf32, #tpu.memory_space<vmem>>
        %dma_start3A_426 = arith.constant 0 : i32
        %dma_start3A_427 = tpu.memref_slice %arg5[%add3A_420, %dma_start3A_426] : memref<200x128xi32, #tpu.memory_space<vmem>> -> memref<1x128xi32, #tpu.memory_space<vmem>>
        %dma_start3A_428 = tpu.memref_squeeze %dma_start3A_427 : memref<1x128xi32, #tpu.memory_space<vmem>> -> memref<128xi32, #tpu.memory_space<vmem>>
        %dma_start3A_429 = arith.constant 0 : i32
        %dma_start3A_430 = arith.constant 0 : i32
        %dma_start3A_431 = tpu.memref_slice %arg3[%dma_start3A_429, %dma_start3A_430] : memref<1000000x64xf32, #tpu.memory_space<hbm>> -> memref<1000000x64xf32, #tpu.memory_space<hbm>>
        tpu.enqueue_indirect_dma source(%dma_start3A_431 : memref<1000000x64xf32, #tpu.memory_space<hbm>>) target(%dma_start3A_425 : memref<128x64xf32, #tpu.memory_space<vmem>>) offsets(%dma_start3A_428 : memref<128xi32, #tpu.memory_space<vmem>>) semaphore(%arg8 : memref<!tpu.dma_semaphore, #tpu.memory_space<semaphore_mem>>)
      } else {
      }
      %dma_wait3A_294 = arith.constant 0 : i32
      %dma_wait3A_295 = arith.constant 1 : i32
      %dma_wait3A_296 = arith.constant 0 : i32
      %dma_wait3A_297 = arith.constant 0 : i32
      %dma_wait3A_298 = tpu.memref_slice %arg6[%dma_wait3A_295, %dma_wait3A_296, %dma_wait3A_297] : memref<2x128x64xf32, #tpu.memory_space<vmem>> -> memref<1x128x64xf32, #tpu.memory_space<vmem>>
      %dma_wait3A_299 = tpu.memref_squeeze %dma_wait3A_298 : memref<1x128x64xf32, #tpu.memory_space<vmem>> -> memref<128x64xf32, #tpu.memory_space<vmem>>
      %dma_wait3A_300 = arith.constant 0 : i32
      %dma_wait3A_301 = tpu.memref_slice %arg5[%dma_wait3A_294, %dma_wait3A_300] : memref<200x128xi32, #tpu.memory_space<vmem>> -> memref<1x128xi32, #tpu.memory_space<vmem>>
      %dma_wait3A_302 = tpu.memref_squeeze %dma_wait3A_301 : memref<1x128xi32, #tpu.memory_space<vmem>> -> memref<128xi32, #tpu.memory_space<vmem>>
      %dma_wait3A_303 = arith.constant 0 : i32
      %dma_wait3A_304 = arith.constant 0 : i32
      %dma_wait3A_305 = tpu.memref_slice %arg3[%dma_wait3A_303, %dma_wait3A_304] : memref<1000000x64xf32, #tpu.memory_space<hbm>> -> memref<1000000x64xf32, #tpu.memory_space<hbm>>
      tpu.wait_indirect_dma semaphore(%arg9 : memref<!tpu.dma_semaphore, #tpu.memory_space<semaphore_mem>>) src(%dma_wait3A_305 : memref<1000000x64xf32, #tpu.memory_space<hbm>>) dst(%dma_wait3A_299 : memref<128x64xf32, #tpu.memory_space<vmem>>)
      %gt3A_306 = arith.constant 0 : i32
      %gt3A_307 = arith.cmpi sgt, %scan3A_159, %gt3A_306 : i32
      %convert_element_type3A_308 = arith.extui %gt3A_307 : i1 to i32
      %cond3A_309 = arith.constant 0 : i32
      %cond3A_310 = arith.cmpi ne, %convert_element_type3A_308, %cond3A_309 : i32
      scf.if %cond3A_310 {
        %dma_wait3A_419 = arith.constant 1 : i32
        %dma_wait3A_420 = arith.constant 0 : i32
        %dma_wait3A_421 = arith.constant 0 : i32
        %dma_wait3A_422 = arith.constant 0 : i32
        %dma_wait3A_423 = arith.constant 0 : i32
        %dma_wait3A_424 = arith.constant 0 : i32
        %dma_wait3A_425 = tpu.memref_slice %arg7[%dma_wait3A_419, %dma_wait3A_422, %dma_wait3A_423, %dma_wait3A_424] : memref<2x8x8x128xf32, #tpu.memory_space<vmem>> -> memref<1x8x8x128xf32, #tpu.memory_space<vmem>>
        %dma_wait3A_426 = tpu.memref_squeeze %dma_wait3A_425 : memref<1x8x8x128xf32, #tpu.memory_space<vmem>> -> memref<8x8x128xf32, #tpu.memory_space<vmem>>
        %dma_wait3A_427 = arith.constant 0 : i32
        %dma_wait3A_428 = arith.constant 0 : i32
        %dma_wait3A_429 = arith.constant 0 : i32
        %dma_wait3A_430 = tpu.memref_slice %arg4[%dma_wait3A_420, %dma_wait3A_427, %dma_wait3A_421, %dma_wait3A_428, %dma_wait3A_429] : memref<200x8x32x8x128xf32, #tpu.memory_space<hbm>> -> memref<1x8x1x8x128xf32, #tpu.memory_space<hbm>>
        %dma_wait3A_431 = tpu.memref_squeeze %dma_wait3A_430 : memref<1x8x1x8x128xf32, #tpu.memory_space<hbm>> -> memref<8x8x128xf32, #tpu.memory_space<hbm>>
        %dma_wait3A_432 = arith.constant 0 : i32
        %dma_wait3A_433 = arith.constant 0 : i32
        %dma_wait3A_434 = arith.constant 0 : i32
        %dma_wait3A_435 = tpu.memref_slice %arg4[%dma_wait3A_420, %dma_wait3A_432, %dma_wait3A_421, %dma_wait3A_433, %dma_wait3A_434] : memref<200x8x32x8x128xf32, #tpu.memory_space<hbm>> -> memref<1x8x1x8x128xf32, #tpu.memory_space<hbm>>
        %dma_wait3A_436 = tpu.memref_squeeze %dma_wait3A_435 : memref<1x8x1x8x128xf32, #tpu.memory_space<hbm>> -> memref<8x8x128xf32, #tpu.memory_space<hbm>>
        %dma_wait3A_437 = arith.constant 0 : i32
        %dma_wait3A_438 = arith.constant 0 : i32
        %dma_wait3A_439 = arith.constant 0 : i32
        %dma_wait3A_440 = tpu.memref_slice %arg7[%dma_wait3A_419, %dma_wait3A_437, %dma_wait3A_438, %dma_wait3A_439] : memref<2x8x8x128xf32, #tpu.memory_space<vmem>> -> memref<1x8x8x128xf32, #tpu.memory_space<vmem>>
        %dma_wait3A_441 = tpu.memref_squeeze %dma_wait3A_440 : memref<1x8x8x128xf32, #tpu.memory_space<vmem>> -> memref<8x8x128xf32, #tpu.memory_space<vmem>>
        tpu.wait_dma2 semaphore(%arg11 : memref<!tpu.dma_semaphore, #tpu.memory_space<semaphore_mem>>) src(%dma_wait3A_441 : memref<8x8x128xf32, #tpu.memory_space<vmem>>) dst(%dma_wait3A_436 : memref<8x8x128xf32, #tpu.memory_space<hbm>>)
      } else {
      }
      %parallel_loop3A_311 = arith.constant 0 : i32
      %parallel_loop3A_312 = arith.constant 32 : i32
      %parallel_loop3A_313 = arith.constant 1 : i32
      scf.for %parallel_loop3A_419 = %parallel_loop3A_311 to %parallel_loop3A_312 step %parallel_loop3A_313  : i32 {
        %parallel_loop3A_420 = arith.constant 2 : i32
        %parallel_loop3A_421 = arith.shrsi %parallel_loop3A_419, %parallel_loop3A_420 : i32
        %parallel_loop3A_422 = arith.constant 3 : i32
        %parallel_loop3A_423 = arith.andi %parallel_loop3A_419, %parallel_loop3A_422 : i32
        %parallel_loop3A_424 = arith.constant 16 : i32
        %parallel_loop3A_425 = arith.muli %parallel_loop3A_421, %parallel_loop3A_424 : i32
        %parallel_loop3A_426 = vector.broadcast %parallel_loop3A_425 : i32 to vector<16xi32>
        %parallel_loop3A_427 = arith.addi %parallel_loop3A_426, %iota3A : vector<16xi32>
        %parallel_loop3A_428 = arith.constant 16 : i32
        %parallel_loop3A_429 = arith.muli %parallel_loop3A_423, %parallel_loop3A_428 : i32
        %parallel_loop3A_430 = vector.broadcast %parallel_loop3A_429 : i32 to vector<16xi32>
        %parallel_loop3A_431 = arith.addi %parallel_loop3A_430, %and3A_7 : vector<16xi32>
        %parallel_loop3A_432 = arith.constant 1 : i32
        %parallel_loop3A_433 = arith.constant 0 : i32
        %parallel_loop3A_434 = arith.constant 0 : i32
        %parallel_loop3A_435 = tpu.memref_slice %arg6[%parallel_loop3A_432, %parallel_loop3A_433, %parallel_loop3A_434] : memref<2x128x64xf32, #tpu.memory_space<vmem>> -> memref<1x128x64xf32, #tpu.memory_space<vmem>>
        %parallel_loop3A_436 = tpu.memref_squeeze %parallel_loop3A_435 : memref<1x128x64xf32, #tpu.memory_space<vmem>> -> memref<128x64xf32, #tpu.memory_space<vmem>>
        %parallel_loop3A_437 = tpu.vector_load_idx %parallel_loop3A_436[%parallel_loop3A_427, %parallel_loop3A_431] : memref<128x64xf32, #tpu.memory_space<vmem>>[vector<16xi32>, vector<16xi32>], vector<16xf32>,
        %parallel_loop3A_438 = arith.constant 3 : i32
        %parallel_loop3A_439 = vector.broadcast %parallel_loop3A_438 : i32 to vector<16xi32>
        %parallel_loop3A_440 = arith.shrsi %parallel_loop3A_431, %parallel_loop3A_439 : vector<16xi32>
        %parallel_loop3A_441 = arith.constant 7 : i32
        %parallel_loop3A_442 = vector.broadcast %parallel_loop3A_441 : i32 to vector<16xi32>
        %parallel_loop3A_443 = arith.andi %parallel_loop3A_431, %parallel_loop3A_442 : vector<16xi32>
        %parallel_loop3A_444 = arith.constant 1 : i32
        %parallel_loop3A_445 = arith.constant 0 : i32
        %parallel_loop3A_446 = arith.constant 0 : i32
        %parallel_loop3A_447 = arith.constant 0 : i32
        %parallel_loop3A_448 = tpu.memref_slice %arg7[%parallel_loop3A_444, %parallel_loop3A_445, %parallel_loop3A_446, %parallel_loop3A_447] : memref<2x8x8x128xf32, #tpu.memory_space<vmem>> -> memref<1x8x8x128xf32, #tpu.memory_space<vmem>>
        %parallel_loop3A_449 = tpu.memref_squeeze %parallel_loop3A_448 : memref<1x8x8x128xf32, #tpu.memory_space<vmem>> -> memref<8x8x128xf32, #tpu.memory_space<vmem>>
        tpu.vector_store_idx %parallel_loop3A_449[%parallel_loop3A_440, %parallel_loop3A_443, %parallel_loop3A_427], %parallel_loop3A_437 : memref<8x8x128xf32, #tpu.memory_space<vmem>>[vector<16xi32>, vector<16xi32>, vector<16xi32>], vector<16xf32>,
        %parallel_loop3A_450 = vector.broadcast %parallel_loop3A_429 : i32 to vector<16xi32>
        %parallel_loop3A_451 = arith.addi %parallel_loop3A_450, %and3A_13 : vector<16xi32>
        %parallel_loop3A_452 = arith.constant 1 : i32
        %parallel_loop3A_453 = arith.constant 0 : i32
        %parallel_loop3A_454 = arith.constant 0 : i32
        %parallel_loop3A_455 = tpu.memref_slice %arg6[%parallel_loop3A_452, %parallel_loop3A_453, %parallel_loop3A_454] : memref<2x128x64xf32, #tpu.memory_space<vmem>> -> memref<1x128x64xf32, #tpu.memory_space<vmem>>
        %parallel_loop3A_456 = tpu.memref_squeeze %parallel_loop3A_455 : memref<1x128x64xf32, #tpu.memory_space<vmem>> -> memref<128x64xf32, #tpu.memory_space<vmem>>
        %parallel_loop3A_457 = tpu.vector_load_idx %parallel_loop3A_456[%parallel_loop3A_427, %parallel_loop3A_451] : memref<128x64xf32, #tpu.memory_space<vmem>>[vector<16xi32>, vector<16xi32>], vector<16xf32>,
        %parallel_loop3A_458 = arith.constant 3 : i32
        %parallel_loop3A_459 = vector.broadcast %parallel_loop3A_458 : i32 to vector<16xi32>
        %parallel_loop3A_460 = arith.shrsi %parallel_loop3A_451, %parallel_loop3A_459 : vector<16xi32>
        %parallel_loop3A_461 = arith.constant 7 : i32
        %parallel_loop3A_462 = vector.broadcast %parallel_loop3A_461 : i32 to vector<16xi32>
        %parallel_loop3A_463 = arith.andi %parallel_loop3A_451, %parallel_loop3A_462 : vector<16xi32>
        %parallel_loop3A_464 = arith.constant 1 : i32
        %parallel_loop3A_465 = arith.constant 0 : i32
        %parallel_loop3A_466 = arith.constant 0 : i32
        %parallel_loop3A_467 = arith.constant 0 : i32
        %parallel_loop3A_468 = tpu.memref_slice %arg7[%parallel_loop3A_464, %parallel_loop3A_465, %parallel_loop3A_466, %parallel_loop3A_467] : memref<2x8x8x128xf32, #tpu.memory_space<vmem>> -> memref<1x8x8x128xf32, #tpu.memory_space<vmem>>
        %parallel_loop3A_469 = tpu.memref_squeeze %parallel_loop3A_468 : memref<1x8x8x128xf32, #tpu.memory_space<vmem>> -> memref<8x8x128xf32, #tpu.memory_space<vmem>>
        tpu.vector_store_idx %parallel_loop3A_469[%parallel_loop3A_460, %parallel_loop3A_463, %parallel_loop3A_427], %parallel_loop3A_457 : memref<8x8x128xf32, #tpu.memory_space<vmem>>[vector<16xi32>, vector<16xi32>, vector<16xi32>], vector<16xf32>,
        %parallel_loop3A_470 = vector.broadcast %parallel_loop3A_429 : i32 to vector<16xi32>
        %parallel_loop3A_471 = arith.addi %parallel_loop3A_470, %and3A_19 : vector<16xi32>
        %parallel_loop3A_472 = arith.constant 1 : i32
        %parallel_loop3A_473 = arith.constant 0 : i32
        %parallel_loop3A_474 = arith.constant 0 : i32
        %parallel_loop3A_475 = tpu.memref_slice %arg6[%parallel_loop3A_472, %parallel_loop3A_473, %parallel_loop3A_474] : memref<2x128x64xf32, #tpu.memory_space<vmem>> -> memref<1x128x64xf32, #tpu.memory_space<vmem>>
        %parallel_loop3A_476 = tpu.memref_squeeze %parallel_loop3A_475 : memref<1x128x64xf32, #tpu.memory_space<vmem>> -> memref<128x64xf32, #tpu.memory_space<vmem>>
        %parallel_loop3A_477 = tpu.vector_load_idx %parallel_loop3A_476[%parallel_loop3A_427, %parallel_loop3A_471] : memref<128x64xf32, #tpu.memory_space<vmem>>[vector<16xi32>, vector<16xi32>], vector<16xf32>,
        %parallel_loop3A_478 = arith.constant 3 : i32
        %parallel_loop3A_479 = vector.broadcast %parallel_loop3A_478 : i32 to vector<16xi32>
        %parallel_loop3A_480 = arith.shrsi %parallel_loop3A_471, %parallel_loop3A_479 : vector<16xi32>
        %parallel_loop3A_481 = arith.constant 7 : i32
        %parallel_loop3A_482 = vector.broadcast %parallel_loop3A_481 : i32 to vector<16xi32>
        %parallel_loop3A_483 = arith.andi %parallel_loop3A_471, %parallel_loop3A_482 : vector<16xi32>
        %parallel_loop3A_484 = arith.constant 1 : i32
        %parallel_loop3A_485 = arith.constant 0 : i32
        %parallel_loop3A_486 = arith.constant 0 : i32
        %parallel_loop3A_487 = arith.constant 0 : i32
        %parallel_loop3A_488 = tpu.memref_slice %arg7[%parallel_loop3A_484, %parallel_loop3A_485, %parallel_loop3A_486, %parallel_loop3A_487] : memref<2x8x8x128xf32, #tpu.memory_space<vmem>> -> memref<1x8x8x128xf32, #tpu.memory_space<vmem>>
        %parallel_loop3A_489 = tpu.memref_squeeze %parallel_loop3A_488 : memref<1x8x8x128xf32, #tpu.memory_space<vmem>> -> memref<8x8x128xf32, #tpu.memory_space<vmem>>
        tpu.vector_store_idx %parallel_loop3A_489[%parallel_loop3A_480, %parallel_loop3A_483, %parallel_loop3A_427], %parallel_loop3A_477 : memref<8x8x128xf32, #tpu.memory_space<vmem>>[vector<16xi32>, vector<16xi32>, vector<16xi32>], vector<16xf32>,
        %parallel_loop3A_490 = vector.broadcast %parallel_loop3A_429 : i32 to vector<16xi32>
        %parallel_loop3A_491 = arith.addi %parallel_loop3A_490, %and3A_25 : vector<16xi32>
        %parallel_loop3A_492 = arith.constant 1 : i32
        %parallel_loop3A_493 = arith.constant 0 : i32
        %parallel_loop3A_494 = arith.constant 0 : i32
        %parallel_loop3A_495 = tpu.memref_slice %arg6[%parallel_loop3A_492, %parallel_loop3A_493, %parallel_loop3A_494] : memref<2x128x64xf32, #tpu.memory_space<vmem>> -> memref<1x128x64xf32, #tpu.memory_space<vmem>>
        %parallel_loop3A_496 = tpu.memref_squeeze %parallel_loop3A_495 : memref<1x128x64xf32, #tpu.memory_space<vmem>> -> memref<128x64xf32, #tpu.memory_space<vmem>>
        %parallel_loop3A_497 = tpu.vector_load_idx %parallel_loop3A_496[%parallel_loop3A_427, %parallel_loop3A_491] : memref<128x64xf32, #tpu.memory_space<vmem>>[vector<16xi32>, vector<16xi32>], vector<16xf32>,
        %parallel_loop3A_498 = arith.constant 3 : i32
        %parallel_loop3A_499 = vector.broadcast %parallel_loop3A_498 : i32 to vector<16xi32>
        %parallel_loop3A_500 = arith.shrsi %parallel_loop3A_491, %parallel_loop3A_499 : vector<16xi32>
        %parallel_loop3A_501 = arith.constant 7 : i32
        %parallel_loop3A_502 = vector.broadcast %parallel_loop3A_501 : i32 to vector<16xi32>
        %parallel_loop3A_503 = arith.andi %parallel_loop3A_491, %parallel_loop3A_502 : vector<16xi32>
        %parallel_loop3A_504 = arith.constant 1 : i32
        %parallel_loop3A_505 = arith.constant 0 : i32
        %parallel_loop3A_506 = arith.constant 0 : i32
        %parallel_loop3A_507 = arith.constant 0 : i32
        %parallel_loop3A_508 = tpu.memref_slice %arg7[%parallel_loop3A_504, %parallel_loop3A_505, %parallel_loop3A_506, %parallel_loop3A_507] : memref<2x8x8x128xf32, #tpu.memory_space<vmem>> -> memref<1x8x8x128xf32, #tpu.memory_space<vmem>>
        %parallel_loop3A_509 = tpu.memref_squeeze %parallel_loop3A_508 : memref<1x8x8x128xf32, #tpu.memory_space<vmem>> -> memref<8x8x128xf32, #tpu.memory_space<vmem>>
        tpu.vector_store_idx %parallel_loop3A_509[%parallel_loop3A_500, %parallel_loop3A_503, %parallel_loop3A_427], %parallel_loop3A_497 : memref<8x8x128xf32, #tpu.memory_space<vmem>>[vector<16xi32>, vector<16xi32>, vector<16xi32>], vector<16xf32>,
        %parallel_loop3A_510 = vector.broadcast %parallel_loop3A_429 : i32 to vector<16xi32>
        %parallel_loop3A_511 = arith.addi %parallel_loop3A_510, %and3A_31 : vector<16xi32>
        %parallel_loop3A_512 = arith.constant 1 : i32
        %parallel_loop3A_513 = arith.constant 0 : i32
        %parallel_loop3A_514 = arith.constant 0 : i32
        %parallel_loop3A_515 = tpu.memref_slice %arg6[%parallel_loop3A_512, %parallel_loop3A_513, %parallel_loop3A_514] : memref<2x128x64xf32, #tpu.memory_space<vmem>> -> memref<1x128x64xf32, #tpu.memory_space<vmem>>
        %parallel_loop3A_516 = tpu.memref_squeeze %parallel_loop3A_515 : memref<1x128x64xf32, #tpu.memory_space<vmem>> -> memref<128x64xf32, #tpu.memory_space<vmem>>
        %parallel_loop3A_517 = tpu.vector_load_idx %parallel_loop3A_516[%parallel_loop3A_427, %parallel_loop3A_511] : memref<128x64xf32, #tpu.memory_space<vmem>>[vector<16xi32>, vector<16xi32>], vector<16xf32>,
        %parallel_loop3A_518 = arith.constant 3 : i32
        %parallel_loop3A_519 = vector.broadcast %parallel_loop3A_518 : i32 to vector<16xi32>
        %parallel_loop3A_520 = arith.shrsi %parallel_loop3A_511, %parallel_loop3A_519 : vector<16xi32>
        %parallel_loop3A_521 = arith.constant 7 : i32
        %parallel_loop3A_522 = vector.broadcast %parallel_loop3A_521 : i32 to vector<16xi32>
        %parallel_loop3A_523 = arith.andi %parallel_loop3A_511, %parallel_loop3A_522 : vector<16xi32>
        %parallel_loop3A_524 = arith.constant 1 : i32
        %parallel_loop3A_525 = arith.constant 0 : i32
        %parallel_loop3A_526 = arith.constant 0 : i32
        %parallel_loop3A_527 = arith.constant 0 : i32
        %parallel_loop3A_528 = tpu.memref_slice %arg7[%parallel_loop3A_524, %parallel_loop3A_525, %parallel_loop3A_526, %parallel_loop3A_527] : memref<2x8x8x128xf32, #tpu.memory_space<vmem>> -> memref<1x8x8x128xf32, #tpu.memory_space<vmem>>
        %parallel_loop3A_529 = tpu.memref_squeeze %parallel_loop3A_528 : memref<1x8x8x128xf32, #tpu.memory_space<vmem>> -> memref<8x8x128xf32, #tpu.memory_space<vmem>>
        tpu.vector_store_idx %parallel_loop3A_529[%parallel_loop3A_520, %parallel_loop3A_523, %parallel_loop3A_427], %parallel_loop3A_517 : memref<8x8x128xf32, #tpu.memory_space<vmem>>[vector<16xi32>, vector<16xi32>, vector<16xi32>], vector<16xf32>,
        %parallel_loop3A_530 = vector.broadcast %parallel_loop3A_429 : i32 to vector<16xi32>
        %parallel_loop3A_531 = arith.addi %parallel_loop3A_530, %and3A_37 : vector<16xi32>
        %parallel_loop3A_532 = arith.constant 1 : i32
        %parallel_loop3A_533 = arith.constant 0 : i32
        %parallel_loop3A_534 = arith.constant 0 : i32
        %parallel_loop3A_535 = tpu.memref_slice %arg6[%parallel_loop3A_532, %parallel_loop3A_533, %parallel_loop3A_534] : memref<2x128x64xf32, #tpu.memory_space<vmem>> -> memref<1x128x64xf32, #tpu.memory_space<vmem>>
        %parallel_loop3A_536 = tpu.memref_squeeze %parallel_loop3A_535 : memref<1x128x64xf32, #tpu.memory_space<vmem>> -> memref<128x64xf32, #tpu.memory_space<vmem>>
        %parallel_loop3A_537 = tpu.vector_load_idx %parallel_loop3A_536[%parallel_loop3A_427, %parallel_loop3A_531] : memref<128x64xf32, #tpu.memory_space<vmem>>[vector<16xi32>, vector<16xi32>], vector<16xf32>,
        %parallel_loop3A_538 = arith.constant 3 : i32
        %parallel_loop3A_539 = vector.broadcast %parallel_loop3A_538 : i32 to vector<16xi32>
        %parallel_loop3A_540 = arith.shrsi %parallel_loop3A_531, %parallel_loop3A_539 : vector<16xi32>
        %parallel_loop3A_541 = arith.constant 7 : i32
        %parallel_loop3A_542 = vector.broadcast %parallel_loop3A_541 : i32 to vector<16xi32>
        %parallel_loop3A_543 = arith.andi %parallel_loop3A_531, %parallel_loop3A_542 : vector<16xi32>
        %parallel_loop3A_544 = arith.constant 1 : i32
        %parallel_loop3A_545 = arith.constant 0 : i32
        %parallel_loop3A_546 = arith.constant 0 : i32
        %parallel_loop3A_547 = arith.constant 0 : i32
        %parallel_loop3A_548 = tpu.memref_slice %arg7[%parallel_loop3A_544, %parallel_loop3A_545, %parallel_loop3A_546, %parallel_loop3A_547] : memref<2x8x8x128xf32, #tpu.memory_space<vmem>> -> memref<1x8x8x128xf32, #tpu.memory_space<vmem>>
        %parallel_loop3A_549 = tpu.memref_squeeze %parallel_loop3A_548 : memref<1x8x8x128xf32, #tpu.memory_space<vmem>> -> memref<8x8x128xf32, #tpu.memory_space<vmem>>
        tpu.vector_store_idx %parallel_loop3A_549[%parallel_loop3A_540, %parallel_loop3A_543, %parallel_loop3A_427], %parallel_loop3A_537 : memref<8x8x128xf32, #tpu.memory_space<vmem>>[vector<16xi32>, vector<16xi32>, vector<16xi32>], vector<16xf32>,
        %parallel_loop3A_550 = vector.broadcast %parallel_loop3A_429 : i32 to vector<16xi32>
        %parallel_loop3A_551 = arith.addi %parallel_loop3A_550, %and3A_43 : vector<16xi32>
        %parallel_loop3A_552 = arith.constant 1 : i32
        %parallel_loop3A_553 = arith.constant 0 : i32
        %parallel_loop3A_554 = arith.constant 0 : i32
        %parallel_loop3A_555 = tpu.memref_slice %arg6[%parallel_loop3A_552, %parallel_loop3A_553, %parallel_loop3A_554] : memref<2x128x64xf32, #tpu.memory_space<vmem>> -> memref<1x128x64xf32, #tpu.memory_space<vmem>>
        %parallel_loop3A_556 = tpu.memref_squeeze %parallel_loop3A_555 : memref<1x128x64xf32, #tpu.memory_space<vmem>> -> memref<128x64xf32, #tpu.memory_space<vmem>>
        %parallel_loop3A_557 = tpu.vector_load_idx %parallel_loop3A_556[%parallel_loop3A_427, %parallel_loop3A_551] : memref<128x64xf32, #tpu.memory_space<vmem>>[vector<16xi32>, vector<16xi32>], vector<16xf32>,
        %parallel_loop3A_558 = arith.constant 3 : i32
        %parallel_loop3A_559 = vector.broadcast %parallel_loop3A_558 : i32 to vector<16xi32>
        %parallel_loop3A_560 = arith.shrsi %parallel_loop3A_551, %parallel_loop3A_559 : vector<16xi32>
        %parallel_loop3A_561 = arith.constant 7 : i32
        %parallel_loop3A_562 = vector.broadcast %parallel_loop3A_561 : i32 to vector<16xi32>
        %parallel_loop3A_563 = arith.andi %parallel_loop3A_551, %parallel_loop3A_562 : vector<16xi32>
        %parallel_loop3A_564 = arith.constant 1 : i32
        %parallel_loop3A_565 = arith.constant 0 : i32
        %parallel_loop3A_566 = arith.constant 0 : i32
        %parallel_loop3A_567 = arith.constant 0 : i32
        %parallel_loop3A_568 = tpu.memref_slice %arg7[%parallel_loop3A_564, %parallel_loop3A_565, %parallel_loop3A_566, %parallel_loop3A_567] : memref<2x8x8x128xf32, #tpu.memory_space<vmem>> -> memref<1x8x8x128xf32, #tpu.memory_space<vmem>>
        %parallel_loop3A_569 = tpu.memref_squeeze %parallel_loop3A_568 : memref<1x8x8x128xf32, #tpu.memory_space<vmem>> -> memref<8x8x128xf32, #tpu.memory_space<vmem>>
        tpu.vector_store_idx %parallel_loop3A_569[%parallel_loop3A_560, %parallel_loop3A_563, %parallel_loop3A_427], %parallel_loop3A_557 : memref<8x8x128xf32, #tpu.memory_space<vmem>>[vector<16xi32>, vector<16xi32>, vector<16xi32>], vector<16xf32>,
        %parallel_loop3A_570 = vector.broadcast %parallel_loop3A_429 : i32 to vector<16xi32>
        %parallel_loop3A_571 = arith.addi %parallel_loop3A_570, %and3A_49 : vector<16xi32>
        %parallel_loop3A_572 = arith.constant 1 : i32
        %parallel_loop3A_573 = arith.constant 0 : i32
        %parallel_loop3A_574 = arith.constant 0 : i32
        %parallel_loop3A_575 = tpu.memref_slice %arg6[%parallel_loop3A_572, %parallel_loop3A_573, %parallel_loop3A_574] : memref<2x128x64xf32, #tpu.memory_space<vmem>> -> memref<1x128x64xf32, #tpu.memory_space<vmem>>
        %parallel_loop3A_576 = tpu.memref_squeeze %parallel_loop3A_575 : memref<1x128x64xf32, #tpu.memory_space<vmem>> -> memref<128x64xf32, #tpu.memory_space<vmem>>
        %parallel_loop3A_577 = tpu.vector_load_idx %parallel_loop3A_576[%parallel_loop3A_427, %parallel_loop3A_571] : memref<128x64xf32, #tpu.memory_space<vmem>>[vector<16xi32>, vector<16xi32>], vector<16xf32>,
        %parallel_loop3A_578 = arith.constant 3 : i32
        %parallel_loop3A_579 = vector.broadcast %parallel_loop3A_578 : i32 to vector<16xi32>
        %parallel_loop3A_580 = arith.shrsi %parallel_loop3A_571, %parallel_loop3A_579 : vector<16xi32>
        %parallel_loop3A_581 = arith.constant 7 : i32
        %parallel_loop3A_582 = vector.broadcast %parallel_loop3A_581 : i32 to vector<16xi32>
        %parallel_loop3A_583 = arith.andi %parallel_loop3A_571, %parallel_loop3A_582 : vector<16xi32>
        %parallel_loop3A_584 = arith.constant 1 : i32
        %parallel_loop3A_585 = arith.constant 0 : i32
        %parallel_loop3A_586 = arith.constant 0 : i32
        %parallel_loop3A_587 = arith.constant 0 : i32
        %parallel_loop3A_588 = tpu.memref_slice %arg7[%parallel_loop3A_584, %parallel_loop3A_585, %parallel_loop3A_586, %parallel_loop3A_587] : memref<2x8x8x128xf32, #tpu.memory_space<vmem>> -> memref<1x8x8x128xf32, #tpu.memory_space<vmem>>
        %parallel_loop3A_589 = tpu.memref_squeeze %parallel_loop3A_588 : memref<1x8x8x128xf32, #tpu.memory_space<vmem>> -> memref<8x8x128xf32, #tpu.memory_space<vmem>>
        tpu.vector_store_idx %parallel_loop3A_589[%parallel_loop3A_580, %parallel_loop3A_583, %parallel_loop3A_427], %parallel_loop3A_577 : memref<8x8x128xf32, #tpu.memory_space<vmem>>[vector<16xi32>, vector<16xi32>, vector<16xi32>], vector<16xf32>,
        %parallel_loop3A_590 = vector.broadcast %parallel_loop3A_429 : i32 to vector<16xi32>
        %parallel_loop3A_591 = arith.addi %parallel_loop3A_590, %and3A_55 : vector<16xi32>
        %parallel_loop3A_592 = arith.constant 1 : i32
        %parallel_loop3A_593 = arith.constant 0 : i32
        %parallel_loop3A_594 = arith.constant 0 : i32
        %parallel_loop3A_595 = tpu.memref_slice %arg6[%parallel_loop3A_592, %parallel_loop3A_593, %parallel_loop3A_594] : memref<2x128x64xf32, #tpu.memory_space<vmem>> -> memref<1x128x64xf32, #tpu.memory_space<vmem>>
        %parallel_loop3A_596 = tpu.memref_squeeze %parallel_loop3A_595 : memref<1x128x64xf32, #tpu.memory_space<vmem>> -> memref<128x64xf32, #tpu.memory_space<vmem>>
        %parallel_loop3A_597 = tpu.vector_load_idx %parallel_loop3A_596[%parallel_loop3A_427, %parallel_loop3A_591] : memref<128x64xf32, #tpu.memory_space<vmem>>[vector<16xi32>, vector<16xi32>], vector<16xf32>,
        %parallel_loop3A_598 = arith.constant 3 : i32
        %parallel_loop3A_599 = vector.broadcast %parallel_loop3A_598 : i32 to vector<16xi32>
        %parallel_loop3A_600 = arith.shrsi %parallel_loop3A_591, %parallel_loop3A_599 : vector<16xi32>
        %parallel_loop3A_601 = arith.constant 7 : i32
        %parallel_loop3A_602 = vector.broadcast %parallel_loop3A_601 : i32 to vector<16xi32>
        %parallel_loop3A_603 = arith.andi %parallel_loop3A_591, %parallel_loop3A_602 : vector<16xi32>
        %parallel_loop3A_604 = arith.constant 1 : i32
        %parallel_loop3A_605 = arith.constant 0 : i32
        %parallel_loop3A_606 = arith.constant 0 : i32
        %parallel_loop3A_607 = arith.constant 0 : i32
        %parallel_loop3A_608 = tpu.memref_slice %arg7[%parallel_loop3A_604, %parallel_loop3A_605, %parallel_loop3A_606, %parallel_loop3A_607] : memref<2x8x8x128xf32, #tpu.memory_space<vmem>> -> memref<1x8x8x128xf32, #tpu.memory_space<vmem>>
        %parallel_loop3A_609 = tpu.memref_squeeze %parallel_loop3A_608 : memref<1x8x8x128xf32, #tpu.memory_space<vmem>> -> memref<8x8x128xf32, #tpu.memory_space<vmem>>
        tpu.vector_store_idx %parallel_loop3A_609[%parallel_loop3A_600, %parallel_loop3A_603, %parallel_loop3A_427], %parallel_loop3A_597 : memref<8x8x128xf32, #tpu.memory_space<vmem>>[vector<16xi32>, vector<16xi32>, vector<16xi32>], vector<16xf32>,
        %parallel_loop3A_610 = vector.broadcast %parallel_loop3A_429 : i32 to vector<16xi32>
        %parallel_loop3A_611 = arith.addi %parallel_loop3A_610, %and3A_61 : vector<16xi32>
        %parallel_loop3A_612 = arith.constant 1 : i32
        %parallel_loop3A_613 = arith.constant 0 : i32
        %parallel_loop3A_614 = arith.constant 0 : i32
        %parallel_loop3A_615 = tpu.memref_slice %arg6[%parallel_loop3A_612, %parallel_loop3A_613, %parallel_loop3A_614] : memref<2x128x64xf32, #tpu.memory_space<vmem>> -> memref<1x128x64xf32, #tpu.memory_space<vmem>>
        %parallel_loop3A_616 = tpu.memref_squeeze %parallel_loop3A_615 : memref<1x128x64xf32, #tpu.memory_space<vmem>> -> memref<128x64xf32, #tpu.memory_space<vmem>>
        %parallel_loop3A_617 = tpu.vector_load_idx %parallel_loop3A_616[%parallel_loop3A_427, %parallel_loop3A_611] : memref<128x64xf32, #tpu.memory_space<vmem>>[vector<16xi32>, vector<16xi32>], vector<16xf32>,
        %parallel_loop3A_618 = arith.constant 3 : i32
        %parallel_loop3A_619 = vector.broadcast %parallel_loop3A_618 : i32 to vector<16xi32>
        %parallel_loop3A_620 = arith.shrsi %parallel_loop3A_611, %parallel_loop3A_619 : vector<16xi32>
        %parallel_loop3A_621 = arith.constant 7 : i32
        %parallel_loop3A_622 = vector.broadcast %parallel_loop3A_621 : i32 to vector<16xi32>
        %parallel_loop3A_623 = arith.andi %parallel_loop3A_611, %parallel_loop3A_622 : vector<16xi32>
        %parallel_loop3A_624 = arith.constant 1 : i32
        %parallel_loop3A_625 = arith.constant 0 : i32
        %parallel_loop3A_626 = arith.constant 0 : i32
        %parallel_loop3A_627 = arith.constant 0 : i32
        %parallel_loop3A_628 = tpu.memref_slice %arg7[%parallel_loop3A_624, %parallel_loop3A_625, %parallel_loop3A_626, %parallel_loop3A_627] : memref<2x8x8x128xf32, #tpu.memory_space<vmem>> -> memref<1x8x8x128xf32, #tpu.memory_space<vmem>>
        %parallel_loop3A_629 = tpu.memref_squeeze %parallel_loop3A_628 : memref<1x8x8x128xf32, #tpu.memory_space<vmem>> -> memref<8x8x128xf32, #tpu.memory_space<vmem>>
        tpu.vector_store_idx %parallel_loop3A_629[%parallel_loop3A_620, %parallel_loop3A_623, %parallel_loop3A_427], %parallel_loop3A_617 : memref<8x8x128xf32, #tpu.memory_space<vmem>>[vector<16xi32>, vector<16xi32>, vector<16xi32>], vector<16xf32>,
        %parallel_loop3A_630 = vector.broadcast %parallel_loop3A_429 : i32 to vector<16xi32>
        %parallel_loop3A_631 = arith.addi %parallel_loop3A_630, %and3A_67 : vector<16xi32>
        %parallel_loop3A_632 = arith.constant 1 : i32
        %parallel_loop3A_633 = arith.constant 0 : i32
        %parallel_loop3A_634 = arith.constant 0 : i32
        %parallel_loop3A_635 = tpu.memref_slice %arg6[%parallel_loop3A_632, %parallel_loop3A_633, %parallel_loop3A_634] : memref<2x128x64xf32, #tpu.memory_space<vmem>> -> memref<1x128x64xf32, #tpu.memory_space<vmem>>
        %parallel_loop3A_636 = tpu.memref_squeeze %parallel_loop3A_635 : memref<1x128x64xf32, #tpu.memory_space<vmem>> -> memref<128x64xf32, #tpu.memory_space<vmem>>
        %parallel_loop3A_637 = tpu.vector_load_idx %parallel_loop3A_636[%parallel_loop3A_427, %parallel_loop3A_631] : memref<128x64xf32, #tpu.memory_space<vmem>>[vector<16xi32>, vector<16xi32>], vector<16xf32>,
        %parallel_loop3A_638 = arith.constant 3 : i32
        %parallel_loop3A_639 = vector.broadcast %parallel_loop3A_638 : i32 to vector<16xi32>
        %parallel_loop3A_640 = arith.shrsi %parallel_loop3A_631, %parallel_loop3A_639 : vector<16xi32>
        %parallel_loop3A_641 = arith.constant 7 : i32
        %parallel_loop3A_642 = vector.broadcast %parallel_loop3A_641 : i32 to vector<16xi32>
        %parallel_loop3A_643 = arith.andi %parallel_loop3A_631, %parallel_loop3A_642 : vector<16xi32>
        %parallel_loop3A_644 = arith.constant 1 : i32
        %parallel_loop3A_645 = arith.constant 0 : i32
        %parallel_loop3A_646 = arith.constant 0 : i32
        %parallel_loop3A_647 = arith.constant 0 : i32
        %parallel_loop3A_648 = tpu.memref_slice %arg7[%parallel_loop3A_644, %parallel_loop3A_645, %parallel_loop3A_646, %parallel_loop3A_647] : memref<2x8x8x128xf32, #tpu.memory_space<vmem>> -> memref<1x8x8x128xf32, #tpu.memory_space<vmem>>
        %parallel_loop3A_649 = tpu.memref_squeeze %parallel_loop3A_648 : memref<1x8x8x128xf32, #tpu.memory_space<vmem>> -> memref<8x8x128xf32, #tpu.memory_space<vmem>>
        tpu.vector_store_idx %parallel_loop3A_649[%parallel_loop3A_640, %parallel_loop3A_643, %parallel_loop3A_427], %parallel_loop3A_637 : memref<8x8x128xf32, #tpu.memory_space<vmem>>[vector<16xi32>, vector<16xi32>, vector<16xi32>], vector<16xf32>,
        %parallel_loop3A_650 = vector.broadcast %parallel_loop3A_429 : i32 to vector<16xi32>
        %parallel_loop3A_651 = arith.addi %parallel_loop3A_650, %and3A_73 : vector<16xi32>
        %parallel_loop3A_652 = arith.constant 1 : i32
        %parallel_loop3A_653 = arith.constant 0 : i32
        %parallel_loop3A_654 = arith.constant 0 : i32
        %parallel_loop3A_655 = tpu.memref_slice %arg6[%parallel_loop3A_652, %parallel_loop3A_653, %parallel_loop3A_654] : memref<2x128x64xf32, #tpu.memory_space<vmem>> -> memref<1x128x64xf32, #tpu.memory_space<vmem>>
        %parallel_loop3A_656 = tpu.memref_squeeze %parallel_loop3A_655 : memref<1x128x64xf32, #tpu.memory_space<vmem>> -> memref<128x64xf32, #tpu.memory_space<vmem>>
        %parallel_loop3A_657 = tpu.vector_load_idx %parallel_loop3A_656[%parallel_loop3A_427, %parallel_loop3A_651] : memref<128x64xf32, #tpu.memory_space<vmem>>[vector<16xi32>, vector<16xi32>], vector<16xf32>,
        %parallel_loop3A_658 = arith.constant 3 : i32
        %parallel_loop3A_659 = vector.broadcast %parallel_loop3A_658 : i32 to vector<16xi32>
        %parallel_loop3A_660 = arith.shrsi %parallel_loop3A_651, %parallel_loop3A_659 : vector<16xi32>
        %parallel_loop3A_661 = arith.constant 7 : i32
        %parallel_loop3A_662 = vector.broadcast %parallel_loop3A_661 : i32 to vector<16xi32>
        %parallel_loop3A_663 = arith.andi %parallel_loop3A_651, %parallel_loop3A_662 : vector<16xi32>
        %parallel_loop3A_664 = arith.constant 1 : i32
        %parallel_loop3A_665 = arith.constant 0 : i32
        %parallel_loop3A_666 = arith.constant 0 : i32
        %parallel_loop3A_667 = arith.constant 0 : i32
        %parallel_loop3A_668 = tpu.memref_slice %arg7[%parallel_loop3A_664, %parallel_loop3A_665, %parallel_loop3A_666, %parallel_loop3A_667] : memref<2x8x8x128xf32, #tpu.memory_space<vmem>> -> memref<1x8x8x128xf32, #tpu.memory_space<vmem>>
        %parallel_loop3A_669 = tpu.memref_squeeze %parallel_loop3A_668 : memref<1x8x8x128xf32, #tpu.memory_space<vmem>> -> memref<8x8x128xf32, #tpu.memory_space<vmem>>
        tpu.vector_store_idx %parallel_loop3A_669[%parallel_loop3A_660, %parallel_loop3A_663, %parallel_loop3A_427], %parallel_loop3A_657 : memref<8x8x128xf32, #tpu.memory_space<vmem>>[vector<16xi32>, vector<16xi32>, vector<16xi32>], vector<16xf32>,
        %parallel_loop3A_670 = vector.broadcast %parallel_loop3A_429 : i32 to vector<16xi32>
        %parallel_loop3A_671 = arith.addi %parallel_loop3A_670, %and3A_79 : vector<16xi32>
        %parallel_loop3A_672 = arith.constant 1 : i32
        %parallel_loop3A_673 = arith.constant 0 : i32
        %parallel_loop3A_674 = arith.constant 0 : i32
        %parallel_loop3A_675 = tpu.memref_slice %arg6[%parallel_loop3A_672, %parallel_loop3A_673, %parallel_loop3A_674] : memref<2x128x64xf32, #tpu.memory_space<vmem>> -> memref<1x128x64xf32, #tpu.memory_space<vmem>>
        %parallel_loop3A_676 = tpu.memref_squeeze %parallel_loop3A_675 : memref<1x128x64xf32, #tpu.memory_space<vmem>> -> memref<128x64xf32, #tpu.memory_space<vmem>>
        %parallel_loop3A_677 = tpu.vector_load_idx %parallel_loop3A_676[%parallel_loop3A_427, %parallel_loop3A_671] : memref<128x64xf32, #tpu.memory_space<vmem>>[vector<16xi32>, vector<16xi32>], vector<16xf32>,
        %parallel_loop3A_678 = arith.constant 3 : i32
        %parallel_loop3A_679 = vector.broadcast %parallel_loop3A_678 : i32 to vector<16xi32>
        %parallel_loop3A_680 = arith.shrsi %parallel_loop3A_671, %parallel_loop3A_679 : vector<16xi32>
        %parallel_loop3A_681 = arith.constant 7 : i32
        %parallel_loop3A_682 = vector.broadcast %parallel_loop3A_681 : i32 to vector<16xi32>
        %parallel_loop3A_683 = arith.andi %parallel_loop3A_671, %parallel_loop3A_682 : vector<16xi32>
        %parallel_loop3A_684 = arith.constant 1 : i32
        %parallel_loop3A_685 = arith.constant 0 : i32
        %parallel_loop3A_686 = arith.constant 0 : i32
        %parallel_loop3A_687 = arith.constant 0 : i32
        %parallel_loop3A_688 = tpu.memref_slice %arg7[%parallel_loop3A_684, %parallel_loop3A_685, %parallel_loop3A_686, %parallel_loop3A_687] : memref<2x8x8x128xf32, #tpu.memory_space<vmem>> -> memref<1x8x8x128xf32, #tpu.memory_space<vmem>>
        %parallel_loop3A_689 = tpu.memref_squeeze %parallel_loop3A_688 : memref<1x8x8x128xf32, #tpu.memory_space<vmem>> -> memref<8x8x128xf32, #tpu.memory_space<vmem>>
        tpu.vector_store_idx %parallel_loop3A_689[%parallel_loop3A_680, %parallel_loop3A_683, %parallel_loop3A_427], %parallel_loop3A_677 : memref<8x8x128xf32, #tpu.memory_space<vmem>>[vector<16xi32>, vector<16xi32>, vector<16xi32>], vector<16xf32>,
        %parallel_loop3A_690 = vector.broadcast %parallel_loop3A_429 : i32 to vector<16xi32>
        %parallel_loop3A_691 = arith.addi %parallel_loop3A_690, %and3A_85 : vector<16xi32>
        %parallel_loop3A_692 = arith.constant 1 : i32
        %parallel_loop3A_693 = arith.constant 0 : i32
        %parallel_loop3A_694 = arith.constant 0 : i32
        %parallel_loop3A_695 = tpu.memref_slice %arg6[%parallel_loop3A_692, %parallel_loop3A_693, %parallel_loop3A_694] : memref<2x128x64xf32, #tpu.memory_space<vmem>> -> memref<1x128x64xf32, #tpu.memory_space<vmem>>
        %parallel_loop3A_696 = tpu.memref_squeeze %parallel_loop3A_695 : memref<1x128x64xf32, #tpu.memory_space<vmem>> -> memref<128x64xf32, #tpu.memory_space<vmem>>
        %parallel_loop3A_697 = tpu.vector_load_idx %parallel_loop3A_696[%parallel_loop3A_427, %parallel_loop3A_691] : memref<128x64xf32, #tpu.memory_space<vmem>>[vector<16xi32>, vector<16xi32>], vector<16xf32>,
        %parallel_loop3A_698 = arith.constant 3 : i32
        %parallel_loop3A_699 = vector.broadcast %parallel_loop3A_698 : i32 to vector<16xi32>
        %parallel_loop3A_700 = arith.shrsi %parallel_loop3A_691, %parallel_loop3A_699 : vector<16xi32>
        %parallel_loop3A_701 = arith.constant 7 : i32
        %parallel_loop3A_702 = vector.broadcast %parallel_loop3A_701 : i32 to vector<16xi32>
        %parallel_loop3A_703 = arith.andi %parallel_loop3A_691, %parallel_loop3A_702 : vector<16xi32>
        %parallel_loop3A_704 = arith.constant 1 : i32
        %parallel_loop3A_705 = arith.constant 0 : i32
        %parallel_loop3A_706 = arith.constant 0 : i32
        %parallel_loop3A_707 = arith.constant 0 : i32
        %parallel_loop3A_708 = tpu.memref_slice %arg7[%parallel_loop3A_704, %parallel_loop3A_705, %parallel_loop3A_706, %parallel_loop3A_707] : memref<2x8x8x128xf32, #tpu.memory_space<vmem>> -> memref<1x8x8x128xf32, #tpu.memory_space<vmem>>
        %parallel_loop3A_709 = tpu.memref_squeeze %parallel_loop3A_708 : memref<1x8x8x128xf32, #tpu.memory_space<vmem>> -> memref<8x8x128xf32, #tpu.memory_space<vmem>>
        tpu.vector_store_idx %parallel_loop3A_709[%parallel_loop3A_700, %parallel_loop3A_703, %parallel_loop3A_427], %parallel_loop3A_697 : memref<8x8x128xf32, #tpu.memory_space<vmem>>[vector<16xi32>, vector<16xi32>, vector<16xi32>], vector<16xf32>,
        %parallel_loop3A_710 = vector.broadcast %parallel_loop3A_429 : i32 to vector<16xi32>
        %parallel_loop3A_711 = arith.addi %parallel_loop3A_710, %and3A_91 : vector<16xi32>
        %parallel_loop3A_712 = arith.constant 1 : i32
        %parallel_loop3A_713 = arith.constant 0 : i32
        %parallel_loop3A_714 = arith.constant 0 : i32
        %parallel_loop3A_715 = tpu.memref_slice %arg6[%parallel_loop3A_712, %parallel_loop3A_713, %parallel_loop3A_714] : memref<2x128x64xf32, #tpu.memory_space<vmem>> -> memref<1x128x64xf32, #tpu.memory_space<vmem>>
        %parallel_loop3A_716 = tpu.memref_squeeze %parallel_loop3A_715 : memref<1x128x64xf32, #tpu.memory_space<vmem>> -> memref<128x64xf32, #tpu.memory_space<vmem>>
        %parallel_loop3A_717 = tpu.vector_load_idx %parallel_loop3A_716[%parallel_loop3A_427, %parallel_loop3A_711] : memref<128x64xf32, #tpu.memory_space<vmem>>[vector<16xi32>, vector<16xi32>], vector<16xf32>,
        %parallel_loop3A_718 = arith.constant 3 : i32
        %parallel_loop3A_719 = vector.broadcast %parallel_loop3A_718 : i32 to vector<16xi32>
        %parallel_loop3A_720 = arith.shrsi %parallel_loop3A_711, %parallel_loop3A_719 : vector<16xi32>
        %parallel_loop3A_721 = arith.constant 7 : i32
        %parallel_loop3A_722 = vector.broadcast %parallel_loop3A_721 : i32 to vector<16xi32>
        %parallel_loop3A_723 = arith.andi %parallel_loop3A_711, %parallel_loop3A_722 : vector<16xi32>
        %parallel_loop3A_724 = arith.constant 1 : i32
        %parallel_loop3A_725 = arith.constant 0 : i32
        %parallel_loop3A_726 = arith.constant 0 : i32
        %parallel_loop3A_727 = arith.constant 0 : i32
        %parallel_loop3A_728 = tpu.memref_slice %arg7[%parallel_loop3A_724, %parallel_loop3A_725, %parallel_loop3A_726, %parallel_loop3A_727] : memref<2x8x8x128xf32, #tpu.memory_space<vmem>> -> memref<1x8x8x128xf32, #tpu.memory_space<vmem>>
        %parallel_loop3A_729 = tpu.memref_squeeze %parallel_loop3A_728 : memref<1x8x8x128xf32, #tpu.memory_space<vmem>> -> memref<8x8x128xf32, #tpu.memory_space<vmem>>
        tpu.vector_store_idx %parallel_loop3A_729[%parallel_loop3A_720, %parallel_loop3A_723, %parallel_loop3A_427], %parallel_loop3A_717 : memref<8x8x128xf32, #tpu.memory_space<vmem>>[vector<16xi32>, vector<16xi32>, vector<16xi32>], vector<16xf32>,
        %parallel_loop3A_730 = vector.broadcast %parallel_loop3A_429 : i32 to vector<16xi32>
        %parallel_loop3A_731 = arith.addi %parallel_loop3A_730, %and3A_97 : vector<16xi32>
        %parallel_loop3A_732 = arith.constant 1 : i32
        %parallel_loop3A_733 = arith.constant 0 : i32
        %parallel_loop3A_734 = arith.constant 0 : i32
        %parallel_loop3A_735 = tpu.memref_slice %arg6[%parallel_loop3A_732, %parallel_loop3A_733, %parallel_loop3A_734] : memref<2x128x64xf32, #tpu.memory_space<vmem>> -> memref<1x128x64xf32, #tpu.memory_space<vmem>>
        %parallel_loop3A_736 = tpu.memref_squeeze %parallel_loop3A_735 : memref<1x128x64xf32, #tpu.memory_space<vmem>> -> memref<128x64xf32, #tpu.memory_space<vmem>>
        %parallel_loop3A_737 = tpu.vector_load_idx %parallel_loop3A_736[%parallel_loop3A_427, %parallel_loop3A_731] : memref<128x64xf32, #tpu.memory_space<vmem>>[vector<16xi32>, vector<16xi32>], vector<16xf32>,
        %parallel_loop3A_738 = arith.constant 3 : i32
        %parallel_loop3A_739 = vector.broadcast %parallel_loop3A_738 : i32 to vector<16xi32>
        %parallel_loop3A_740 = arith.shrsi %parallel_loop3A_731, %parallel_loop3A_739 : vector<16xi32>
        %parallel_loop3A_741 = arith.constant 7 : i32
        %parallel_loop3A_742 = vector.broadcast %parallel_loop3A_741 : i32 to vector<16xi32>
        %parallel_loop3A_743 = arith.andi %parallel_loop3A_731, %parallel_loop3A_742 : vector<16xi32>
        %parallel_loop3A_744 = arith.constant 1 : i32
        %parallel_loop3A_745 = arith.constant 0 : i32
        %parallel_loop3A_746 = arith.constant 0 : i32
        %parallel_loop3A_747 = arith.constant 0 : i32
        %parallel_loop3A_748 = tpu.memref_slice %arg7[%parallel_loop3A_744, %parallel_loop3A_745, %parallel_loop3A_746, %parallel_loop3A_747] : memref<2x8x8x128xf32, #tpu.memory_space<vmem>> -> memref<1x8x8x128xf32, #tpu.memory_space<vmem>>
        %parallel_loop3A_749 = tpu.memref_squeeze %parallel_loop3A_748 : memref<1x8x8x128xf32, #tpu.memory_space<vmem>> -> memref<8x8x128xf32, #tpu.memory_space<vmem>>
        tpu.vector_store_idx %parallel_loop3A_749[%parallel_loop3A_740, %parallel_loop3A_743, %parallel_loop3A_427], %parallel_loop3A_737 : memref<8x8x128xf32, #tpu.memory_space<vmem>>[vector<16xi32>, vector<16xi32>, vector<16xi32>], vector<16xf32>,
      } {sc.loop_unroll_factor = 2 : i64, sc.parallel_access}
      %add3A_314 = arith.addi %mul3A_2, %add3A_163 : i32
      %jit3A_315 = arith.constant 256 : i32
      %div3A_316 = arith.divsi %add3A_314, %jit3A_315 : i32
      %sign3A_317 = arith.constant 0 : i32
      %sign3A_318 = arith.cmpi sgt, %add3A_314, %sign3A_317 : i32
      %sign3A_319 = arith.extui %sign3A_318 : i1 to i32
      %sign3A_320 = arith.constant 0 : i32
      %sign3A_321 = arith.cmpi slt, %add3A_314, %sign3A_320 : i32
      %sign3A_322 = arith.extui %sign3A_321 : i1 to i32
      %sign3A_323 = arith.subi %sign3A_319, %sign3A_322 : i32
      %sign3A_324 = arith.constant 0 : i32
      %sign3A_325 = arith.cmpi sgt, %jit3A_315, %sign3A_324 : i32
      %sign3A_326 = arith.extui %sign3A_325 : i1 to i32
      %sign3A_327 = arith.constant 0 : i32
      %sign3A_328 = arith.cmpi slt, %jit3A_315, %sign3A_327 : i32
      %sign3A_329 = arith.extui %sign3A_328 : i1 to i32
      %sign3A_330 = arith.subi %sign3A_326, %sign3A_329 : i32
      %ne3A_331 = arith.cmpi ne, %sign3A_323, %sign3A_330 : i32
      %rem3A_332 = arith.remsi %add3A_314, %jit3A_315 : i32
      %ne3A_333 = arith.constant 0 : i32
      %ne3A_334 = arith.cmpi ne, %rem3A_332, %ne3A_333 : i32
      %and3A_335 = arith.andi %ne3A_331, %ne3A_334 : i1
      %sub3A_336 = arith.constant 1 : i32
      %sub3A_337 = arith.subi %div3A_316, %sub3A_336 : i32
      %select_n3A_338 = arith.select %and3A_335, %sub3A_337, %div3A_316 : i32
      %jit3A_339 = arith.constant 8 : i32
      %div3A_340 = arith.divsi %add3A_314, %jit3A_339 : i32
      %sign3A_341 = arith.constant 0 : i32
      %sign3A_342 = arith.cmpi sgt, %add3A_314, %sign3A_341 : i32
      %sign3A_343 = arith.extui %sign3A_342 : i1 to i32
      %sign3A_344 = arith.constant 0 : i32
      %sign3A_345 = arith.cmpi slt, %add3A_314, %sign3A_344 : i32
      %sign3A_346 = arith.extui %sign3A_345 : i1 to i32
      %sign3A_347 = arith.subi %sign3A_343, %sign3A_346 : i32
      %sign3A_348 = arith.constant 0 : i32
      %sign3A_349 = arith.cmpi sgt, %jit3A_339, %sign3A_348 : i32
      %sign3A_350 = arith.extui %sign3A_349 : i1 to i32
      %sign3A_351 = arith.constant 0 : i32
      %sign3A_352 = arith.cmpi slt, %jit3A_339, %sign3A_351 : i32
      %sign3A_353 = arith.extui %sign3A_352 : i1 to i32
      %sign3A_354 = arith.subi %sign3A_350, %sign3A_353 : i32
      %ne3A_355 = arith.cmpi ne, %sign3A_347, %sign3A_354 : i32
      %rem3A_356 = arith.remsi %add3A_314, %jit3A_339 : i32
      %ne3A_357 = arith.constant 0 : i32
      %ne3A_358 = arith.cmpi ne, %rem3A_356, %ne3A_357 : i32
      %and3A_359 = arith.andi %ne3A_355, %ne3A_358 : i1
      %sub3A_360 = arith.constant 1 : i32
      %sub3A_361 = arith.subi %div3A_340, %sub3A_360 : i32
      %select_n3A_362 = arith.select %and3A_359, %sub3A_361, %div3A_340 : i32
      %jit3A_363 = arith.constant 32 : i32
      %eq3A_364 = arith.constant 0 : i32
      %eq3A_365 = arith.cmpi eq, %jit3A_363, %eq3A_364 : i32
      %jit3A_366 = arith.constant 1 : i32
      %select_n3A_367 = arith.select %eq3A_365, %jit3A_366, %jit3A_363 : i32
      %rem3A_368 = arith.remsi %select_n3A_362, %select_n3A_367 : i32
      %ne3A_369 = arith.constant 0 : i32
      %ne3A_370 = arith.cmpi ne, %rem3A_368, %ne3A_369 : i32
      %lt3A_371 = arith.constant 0 : i32
      %lt3A_372 = arith.cmpi slt, %rem3A_368, %lt3A_371 : i32
      %lt3A_373 = arith.constant 0 : i32
      %lt3A_374 = arith.cmpi slt, %select_n3A_367, %lt3A_373 : i32
      %ne3A_375 = arith.xori %lt3A_372, %lt3A_374 : i1
      %and3A_376 = arith.andi %ne3A_375, %ne3A_370 : i1
      %add3A_377 = arith.addi %rem3A_368, %select_n3A_367 : i32
      %select_n3A_378 = arith.select %and3A_376, %add3A_377, %rem3A_368 : i32
      %jit3A_379 = arith.constant 8 : i32
      %eq3A_380 = arith.constant 0 : i32
      %eq3A_381 = arith.cmpi eq, %jit3A_379, %eq3A_380 : i32
      %jit3A_382 = arith.constant 1 : i32
      %select_n3A_383 = arith.select %eq3A_381, %jit3A_382, %jit3A_379 : i32
      %rem3A_384 = arith.remsi %add3A_314, %select_n3A_383 : i32
      %ne3A_385 = arith.constant 0 : i32
      %ne3A_386 = arith.cmpi ne, %rem3A_384, %ne3A_385 : i32
      %lt3A_387 = arith.constant 0 : i32
      %lt3A_388 = arith.cmpi slt, %rem3A_384, %lt3A_387 : i32
      %lt3A_389 = arith.constant 0 : i32
      %lt3A_390 = arith.cmpi slt, %select_n3A_383, %lt3A_389 : i32
      %ne3A_391 = arith.xori %lt3A_388, %lt3A_390 : i1
      %and3A_392 = arith.andi %ne3A_391, %ne3A_386 : i1
      %add3A_393 = arith.addi %rem3A_384, %select_n3A_383 : i32
      %select_n3A_394 = arith.select %and3A_392, %add3A_393, %rem3A_384 : i32
      %mul3A_395 = arith.constant 8 : i32
      %mul3A_396 = arith.muli %select_n3A_338, %mul3A_395 : i32
      %add3A_397 = arith.addi %mul3A_396, %select_n3A_394 : i32
      %dma_start3A_398 = arith.constant 1 : i32
      %dma_start3A_399 = arith.constant 0 : i32
      %dma_start3A_400 = arith.constant 0 : i32
      %dma_start3A_401 = arith.constant 0 : i32
      %dma_start3A_402 = tpu.memref_slice %arg7[%dma_start3A_398, %dma_start3A_399, %dma_start3A_400, %dma_start3A_401] : memref<2x8x8x128xf32, #tpu.memory_space<vmem>> -> memref<1x8x8x128xf32, #tpu.memory_space<vmem>>
      %dma_start3A_403 = tpu.memref_squeeze %dma_start3A_402 : memref<1x8x8x128xf32, #tpu.memory_space<vmem>> -> memref<8x8x128xf32, #tpu.memory_space<vmem>>
      %dma_start3A_404 = arith.constant 0 : i32
      %dma_start3A_405 = arith.constant 0 : i32
      %dma_start3A_406 = arith.constant 0 : i32
      %dma_start3A_407 = tpu.memref_slice %arg4[%add3A_397, %dma_start3A_404, %select_n3A_378, %dma_start3A_405, %dma_start3A_406] : memref<200x8x32x8x128xf32, #tpu.memory_space<hbm>> -> memref<1x8x1x8x128xf32, #tpu.memory_space<hbm>>
      %dma_start3A_408 = tpu.memref_squeeze %dma_start3A_407 : memref<1x8x1x8x128xf32, #tpu.memory_space<hbm>> -> memref<8x8x128xf32, #tpu.memory_space<hbm>>
      %dma_start3A_409 = arith.constant 0 : i32
      %dma_start3A_410 = arith.constant 0 : i32
      %dma_start3A_411 = arith.constant 0 : i32
      %dma_start3A_412 = tpu.memref_slice %arg4[%add3A_397, %dma_start3A_409, %select_n3A_378, %dma_start3A_410, %dma_start3A_411] : memref<200x8x32x8x128xf32, #tpu.memory_space<hbm>> -> memref<1x8x1x8x128xf32, #tpu.memory_space<hbm>>
      %dma_start3A_413 = tpu.memref_squeeze %dma_start3A_412 : memref<1x8x1x8x128xf32, #tpu.memory_space<hbm>> -> memref<8x8x128xf32, #tpu.memory_space<hbm>>
      %dma_start3A_414 = arith.constant 0 : i32
      %dma_start3A_415 = arith.constant 0 : i32
      %dma_start3A_416 = arith.constant 0 : i32
      %dma_start3A_417 = tpu.memref_slice %arg7[%dma_start3A_398, %dma_start3A_414, %dma_start3A_415, %dma_start3A_416] : memref<2x8x8x128xf32, #tpu.memory_space<vmem>> -> memref<1x8x8x128xf32, #tpu.memory_space<vmem>>
      %dma_start3A_418 = tpu.memref_squeeze %dma_start3A_417 : memref<1x8x8x128xf32, #tpu.memory_space<vmem>> -> memref<8x8x128xf32, #tpu.memory_space<vmem>>
      tpu.enqueue_dma source(%dma_start3A_418 : memref<8x8x128xf32, #tpu.memory_space<vmem>>) target(%dma_start3A_413 : memref<8x8x128xf32, #tpu.memory_space<hbm>>) target_semaphore(%arg11 : memref<!tpu.dma_semaphore, #tpu.memory_space<semaphore_mem>>)
    }
    %scan3A_113 = arith.constant 100 : i32
    %dma_wait3A = arith.constant 0 : i32
    %dma_wait3A_114 = arith.constant 0 : i32
    %dma_wait3A_115 = arith.constant 0 : i32
    %dma_wait3A_116 = arith.constant 0 : i32
    %dma_wait3A_117 = arith.constant 0 : i32
    %dma_wait3A_118 = arith.constant 0 : i32
    %dma_wait3A_119 = tpu.memref_slice %arg7[%dma_wait3A, %dma_wait3A_116, %dma_wait3A_117, %dma_wait3A_118] : memref<2x8x8x128xf32, #tpu.memory_space<vmem>> -> memref<1x8x8x128xf32, #tpu.memory_space<vmem>>
    %dma_wait3A_120 = tpu.memref_squeeze %dma_wait3A_119 : memref<1x8x8x128xf32, #tpu.memory_space<vmem>> -> memref<8x8x128xf32, #tpu.memory_space<vmem>>
    %dma_wait3A_121 = arith.constant 0 : i32
    %dma_wait3A_122 = arith.constant 0 : i32
    %dma_wait3A_123 = arith.constant 0 : i32
    %dma_wait3A_124 = tpu.memref_slice %arg4[%dma_wait3A_114, %dma_wait3A_121, %dma_wait3A_115, %dma_wait3A_122, %dma_wait3A_123] : memref<200x8x32x8x128xf32, #tpu.memory_space<hbm>> -> memref<1x8x1x8x128xf32, #tpu.memory_space<hbm>>
    %dma_wait3A_125 = tpu.memref_squeeze %dma_wait3A_124 : memref<1x8x1x8x128xf32, #tpu.memory_space<hbm>> -> memref<8x8x128xf32, #tpu.memory_space<hbm>>
    %dma_wait3A_126 = arith.constant 0 : i32
    %dma_wait3A_127 = arith.constant 0 : i32
    %dma_wait3A_128 = arith.constant 0 : i32
    %dma_wait3A_129 = tpu.memref_slice %arg4[%dma_wait3A_114, %dma_wait3A_126, %dma_wait3A_115, %dma_wait3A_127, %dma_wait3A_128] : memref<200x8x32x8x128xf32, #tpu.memory_space<hbm>> -> memref<1x8x1x8x128xf32, #tpu.memory_space<hbm>>
    %dma_wait3A_130 = tpu.memref_squeeze %dma_wait3A_129 : memref<1x8x1x8x128xf32, #tpu.memory_space<hbm>> -> memref<8x8x128xf32, #tpu.memory_space<hbm>>
    %dma_wait3A_131 = arith.constant 0 : i32
    %dma_wait3A_132 = arith.constant 0 : i32
    %dma_wait3A_133 = arith.constant 0 : i32
    %dma_wait3A_134 = tpu.memref_slice %arg7[%dma_wait3A, %dma_wait3A_131, %dma_wait3A_132, %dma_wait3A_133] : memref<2x8x8x128xf32, #tpu.memory_space<vmem>> -> memref<1x8x8x128xf32, #tpu.memory_space<vmem>>
    %dma_wait3A_135 = tpu.memref_squeeze %dma_wait3A_134 : memref<1x8x8x128xf32, #tpu.memory_space<vmem>> -> memref<8x8x128xf32, #tpu.memory_space<vmem>>
    tpu.wait_dma2 semaphore(%arg10 : memref<!tpu.dma_semaphore, #tpu.memory_space<semaphore_mem>>) src(%dma_wait3A_135 : memref<8x8x128xf32, #tpu.memory_space<vmem>>) dst(%dma_wait3A_130 : memref<8x8x128xf32, #tpu.memory_space<hbm>>)
    %dma_wait3A_136 = arith.constant 1 : i32
    %dma_wait3A_137 = arith.constant 0 : i32
    %dma_wait3A_138 = arith.constant 0 : i32
    %dma_wait3A_139 = arith.constant 0 : i32
    %dma_wait3A_140 = arith.constant 0 : i32
    %dma_wait3A_141 = arith.constant 0 : i32
    %dma_wait3A_142 = tpu.memref_slice %arg7[%dma_wait3A_136, %dma_wait3A_139, %dma_wait3A_140, %dma_wait3A_141] : memref<2x8x8x128xf32, #tpu.memory_space<vmem>> -> memref<1x8x8x128xf32, #tpu.memory_space<vmem>>
    %dma_wait3A_143 = tpu.memref_squeeze %dma_wait3A_142 : memref<1x8x8x128xf32, #tpu.memory_space<vmem>> -> memref<8x8x128xf32, #tpu.memory_space<vmem>>
    %dma_wait3A_144 = arith.constant 0 : i32
    %dma_wait3A_145 = arith.constant 0 : i32
    %dma_wait3A_146 = arith.constant 0 : i32
    %dma_wait3A_147 = tpu.memref_slice %arg4[%dma_wait3A_137, %dma_wait3A_144, %dma_wait3A_138, %dma_wait3A_145, %dma_wait3A_146] : memref<200x8x32x8x128xf32, #tpu.memory_space<hbm>> -> memref<1x8x1x8x128xf32, #tpu.memory_space<hbm>>
    %dma_wait3A_148 = tpu.memref_squeeze %dma_wait3A_147 : memref<1x8x1x8x128xf32, #tpu.memory_space<hbm>> -> memref<8x8x128xf32, #tpu.memory_space<hbm>>
    %dma_wait3A_149 = arith.constant 0 : i32
    %dma_wait3A_150 = arith.constant 0 : i32
    %dma_wait3A_151 = arith.constant 0 : i32
    %dma_wait3A_152 = tpu.memref_slice %arg4[%dma_wait3A_137, %dma_wait3A_149, %dma_wait3A_138, %dma_wait3A_150, %dma_wait3A_151] : memref<200x8x32x8x128xf32, #tpu.memory_space<hbm>> -> memref<1x8x1x8x128xf32, #tpu.memory_space<hbm>>
    %dma_wait3A_153 = tpu.memref_squeeze %dma_wait3A_152 : memref<1x8x1x8x128xf32, #tpu.memory_space<hbm>> -> memref<8x8x128xf32, #tpu.memory_space<hbm>>
    %dma_wait3A_154 = arith.constant 0 : i32
    %dma_wait3A_155 = arith.constant 0 : i32
    %dma_wait3A_156 = arith.constant 0 : i32
    %dma_wait3A_157 = tpu.memref_slice %arg7[%dma_wait3A_136, %dma_wait3A_154, %dma_wait3A_155, %dma_wait3A_156] : memref<2x8x8x128xf32, #tpu.memory_space<vmem>> -> memref<1x8x8x128xf32, #tpu.memory_space<vmem>>
    %dma_wait3A_158 = tpu.memref_squeeze %dma_wait3A_157 : memref<1x8x8x128xf32, #tpu.memory_space<vmem>> -> memref<8x8x128xf32, #tpu.memory_space<vmem>>
    tpu.wait_dma2 semaphore(%arg11 : memref<!tpu.dma_semaphore, #tpu.memory_space<semaphore_mem>>) src(%dma_wait3A_158 : memref<8x8x128xf32, #tpu.memory_space<vmem>>) dst(%dma_wait3A_153 : memref<8x8x128xf32, #tpu.memory_space<hbm>>)
    return
  }
}

</mosaic_0001>

<sc_bundles>
// kernel: kernel.3.cloned.1.call-start
scs
__scs_entry_jumppad:
0x0: {  	(pc) =	sbr.rel $0x88, $3  }
0x1: {  	(tag) =	ssettag $0x0;
	lr =	simm.s32 $0x1  }
0x2: {  	[smem:$0x3F9F] =	sst lr;
	_ =	strace $0xD0000000  }
0x3: {  	_ = 	snop  }
0x4: {  	_ = 	snop  }
0x5: {  	_ = 	snop  }
0x6: {  	_ = 	snop  }
0x7: {  	_ = 	snop  }
__scs_overlays_trampoline_lowered:
0x8: {  	[smem:$0x3FAE] =	sst s0  }
0x9: {  	[smem:$0x3FAF] =	sst s1  }
0xa: {  	[smem:$0x3FB0] =	sst s2  }
0xb: {  	[smem:$0x3FB1] =	sst s3  }
0xc: {  	[smem:$0x3FB2] =	sst s4  }
0xd: {  	[smem:$0x3FB3] =	sst s5  }
0xe: {  	[smem:$0x3FB4] =	sst s6  }
0xf: {  	[smem:$0x3FB5] =	sst s7  }
0x10: {  	[smem:$0x3FB6] =	sst s8  }
0x11: {  	[smem:$0x3FB7] =	sst s9;
	s0 =	simm.s32 @!p0 $0x0  }
0x12: {  	s1 =	sld [smem:$0x3F9D];
	s0 =	simm.s32 @p0 $0x1  }
0x13: {  	[smem:$0x3FB8] =	sst s0;
	s0 =	simm.s32 @!p1 $0x0  }
0x14: {  	s2 =	sld [smem:$0x3F9C];
	s0 =	simm.s32 @p1 $0x1  }
0x15: {  	[smem:$0x3FB9] =	sst s0;
	s0 =	simm.s32 @!p2 $0x0  }
0x16: {  	s3 =	sld [smem:$0x3FDB];
	s0 =	simm.s32 @p2 $0x1  }
0x17: {  	s4 =	simm.s32 $0x1BF5;
	[smem:$0x3FBB] =	sst s0  }
0x18: {  	s0 =	sld [smem:$0x3F9E];
	_ =	swait.ge [sflag:s4], $0x0  }
0x19: {  	s7 =	sld [smem:$0x3F9F]  }
0x1a: {  	s8 =	sadd.s32 $0xFFFFE003, lr  }
0x1b: {  	s9 =	sadd.s32 $0xFFFFFEF7, lr;
	s5 =	simm.s32 $0xFFFFFFFF;
	p2 =	slt.u32 s8, $0xFFFFF086  }
0x1c: {  	p1 =	slt.u32 s9, $0xF7A;
	s5 =	simm.s32 @!p2 $0x0  }
0x1d: {  	s5 =	simm.s32 @p1 $0x1;
	p0 =	seq.s32 s7, s2  }
0x1e: {  	s7 =	smul.u32 @!p0 $0xF7A, s2;
	p2 =	seq.s32 @!p0 s5, $0x0  }
0x1f: {  	s9 =	smul.u32 $0xF7A, s1;
	s8 =	simm.s32 @!p0 $0x1BF5;
	p2 =	por !p2, p0  }
0x20: {  	[sflag:s8] =	ssyncset.s32 @!p0 $0xFFFFF086;
	s6 =	sadd.s32 @!p0 s3, s7;
	s7 =	simm.s32 @!p0 $0x108  }
0x21: {  	s3 =	sadd.s32 s3, s9;
	s6 =	sadd.s32 @!p0 $0x88, s6;
	s7 =	simm.s32 @p2 $0x1082  }
0x22: {  	[simem:s7], [sflag:s8] =	dma.local @!p0 [hbm:s6], $0xF7A  }
0x23: {  	s9 =	sor.u32 $0xD0000000, s2;
	s6 =	simm.s32 $0x108;
	_ =	swait.ge @!p0 [sflag:s8], $0x0  }
0x24: {  	s3 =	sadd.s32 $0x88, s3;
	s6 =	simm.s32 @!p1 $0x1082;
	[sflag:s4] =	ssyncset.s32 $0xFFFFF086  }
0x25: {  	[simem:s6], [sflag:s4] =	dma.local [hbm:s3], $0xF7A  }
0x26: {  	[smem:$0x3F9F] =	sst s1;
	(tag) =	ssettag s2;
	_ =	strace s9  }
0x27: {  	s1 =	sld [smem:$0x3FAF]  }
0x28: {  	s2 =	sld [smem:$0x3FB0]  }
0x29: {  	s4 =	sld [smem:$0x3FB2]  }
0x2a: {  	p0 =	seq.s32 s5, $0x0;
	s5 =	sld [smem:$0x3FB3]  }
0x2b: {  	s6 =	sld [smem:$0x3FB4]  }
0x2c: {  	s7 =	sld [smem:$0x3FB5]  }
0x2d: {  	s3 =	simm.s32 $0x108;
	s8 =	sld [smem:$0x3FB6]  }
0x2e: {  	s3 =	simm.s32 @!p0 $0x1082;
	s9 =	sld [smem:$0x3FB7]  }
0x2f: {  	lr =	sadd.s32 s0, s3;
	s0 =	sld [smem:$0x3FAE]  }
0x30: {  	s3 =	sld [smem:$0x3FB1]  }
0x31: {  	[smem:$0x3FBA] =	sst s10  }
0x32: {  	s10 =	sld [smem:$0x3FB8];
	_ =	sdelay $0x3  }
0x33: {  	p0 =	seq.s32 s10, $0x1;
	s10 =	sld [smem:$0x3FBA];
	_ =	sdelay $0x3  }
0x34: {  	[smem:$0x3FBA] =	sst s10  }
0x35: {  	s10 =	sld [smem:$0x3FB9];
	_ =	sdelay $0x3  }
0x36: {  	p1 =	seq.s32 s10, $0x1;
	s10 =	sld [smem:$0x3FBA];
	_ =	sdelay $0x3  }
0x37: {  	[smem:$0x3FBA] =	sst s10  }
0x38: {  	s10 =	sld [smem:$0x3FBB]  }
0x39: {  	_ = 	snop;
	(pc) =	sbr.ind lr, $3  }
0x3a: {  	_ = 	snop  }
0x3b: {  	_ = 	snop  }
0x3c: {  	p2 =	seq.s32 s10, $0x1;
	s10 =	sld [smem:$0x3FBA]  }
0x3d: {  	_ =	shalt  }
0x3e: {  	_ =	shalt  }
0x3f: {  	_ =	shalt  }
0x40: {  	_ =	shalt  }
0x41: {  	_ =	shalt  }
0x42: {  	_ =	shalt  }
0x43: {  	_ =	shalt  }
0x44: {  	_ =	shalt  }
0x45: {  	_ =	shalt  }
0x46: {  	_ =	shalt  }
0x47: {  	_ =	shalt  }
0x48: {  	_ =	shalt  }
0x49: {  	_ =	shalt  }
0x4a: {  	_ =	shalt  }
0x4b: {  	_ =	shalt  }
0x4c: {  	_ =	shalt  }
0x4d: {  	_ =	shalt  }
0x4e: {  	_ =	shalt  }
0x4f: {  	_ =	shalt  }
0x50: {  	_ =	shalt  }
0x51: {  	_ =	shalt  }
0x52: {  	_ =	shalt  }
0x53: {  	_ =	shalt  }
0x54: {  	_ =	shalt  }
0x55: {  	_ =	shalt  }
0x56: {  	_ =	shalt  }
0x57: {  	_ =	shalt  }
0x58: {  	_ =	shalt  }
0x59: {  	_ =	shalt  }
0x5a: {  	_ =	shalt  }
0x5b: {  	_ =	shalt  }
0x5c: {  	_ =	shalt  }
0x5d: {  	_ =	shalt  }
0x5e: {  	_ =	shalt  }
0x5f: {  	_ =	shalt  }
0x60: {  	_ =	shalt  }
0x61: {  	_ =	shalt  }
0x62: {  	_ =	shalt  }
0x63: {  	_ =	shalt  }
0x64: {  	_ =	shalt  }
0x65: {  	_ =	shalt  }
0x66: {  	_ =	shalt  }
0x67: {  	_ =	shalt  }
0x68: {  	_ =	shalt  }
0x69: {  	_ =	shalt  }
0x6a: {  	_ =	shalt  }
0x6b: {  	_ =	shalt  }
0x6c: {  	_ =	shalt  }
0x6d: {  	_ =	shalt  }
0x6e: {  	_ =	shalt  }
0x6f: {  	_ =	shalt  }
0x70: {  	_ =	shalt  }
0x71: {  	_ =	shalt  }
0x72: {  	_ =	shalt  }
0x73: {  	_ =	shalt  }
0x74: {  	_ =	shalt  }
0x75: {  	_ =	shalt  }
0x76: {  	_ =	shalt  }
0x77: {  	_ =	shalt  }
0x78: {  	_ =	shalt  }
0x79: {  	_ =	shalt  }
0x7a: {  	_ =	shalt  }
0x7b: {  	_ =	shalt  }
0x7c: {  	_ =	shalt  }
0x7d: {  	_ =	shalt  }
0x7e: {  	_ =	shalt  }
0x7f: {  	_ =	shalt  }
0x80: {  	_ =	shalt  }
0x81: {  	_ =	shalt  }
0x82: {  	_ =	shalt  }
0x83: {  	_ =	shalt  }
0x84: {  	_ =	shalt  }
0x85: {  	_ =	shalt  }
0x86: {  	_ =	shalt  }
0x87: {  	_ =	shalt  }
.Lfunc_end0:
.L_simem_size_0:
called_computation_lowered:
.L_overlay_start_0:
0x88: {  	s2 =	sld [smem:$0x3FD9]  }
0x89: {  	s3 =	sld [smem:$0x3FFE];
	_ =	sdelay $0x1  }
0x8a: {  	s1 =	srdreg.scid  }
0x8b: {  	s0 =	sand.u32 $0x1, s1  }
0x8c: {  	s17 =	sshll.u32 s0, $0xA;
	s2 =	sadd.s32 s3, s2  }
0x8d: {  	s2 =	sadd.s32 s2, s17  }
0x8e: {  	[smem:$0x3FC6] =	sst s2  }
0x8f: {  	_ = 	snop  }
0x90: {  	s2 =	sld [smem:$0x3FC9]  }
0x91: {  	s18 =	sld [smem:$0x3FD0];
	(tm) =	ssettm $0x1  }
0x92: {  	s4 =	sld [smem:$0x3FFB];
	_ =	sdelay $0x3  }
0x93: {  	_ =	strace s4  }
0x94: {  	s4 =	sld [smem:$0x3FFC];
	_ =	sdelay $0x3  }
0x95: {  	_ =	strace s4  }
0x96: {  	s4 =	sld [smem:$0x3FFD];
	_ =	sdelay $0x3  }
0x97: {  	_ =	strace s4  }
0x98: {  	_ =	strace $0x8FFFFFFF  }
0x99: {  	s19 =	sld [smem:$0x3FDB];
	_ =	sdelay $0x1  }
0x9a: {  	s5 =	simm.s32 $_scs_section_size  }
0x9b: {  	s6 =	simm.s32 $_size__tile_overlayer_lowered;
	s7 =	simm.s32 $_tile_overlayer_lowered  }
0x9c: {  	s22 =	simm.s32 $0x1BFF;
	s21 =	sshll.u32 s7, $0x1;
	s4 =	sadd.s32 s5, s19  }
0x9d: {  	s8 =	simm.s32 $0x0;
	s20 =	sshll.u32 s6, $0x1;
	s6 =	sadd.s32 s21, s4  }
0x9e: {  	[timem:s8], [sflag:s22] =	dma.local [hbm:s6], s20  }
0x9f: {  	_ =	swait.ge [sflag:s22], s20  }
0xa0: {  	s5 =	ssub.s32 $0x0, s20;
	[sflag:s22] =	ssyncset.done $0x0  }
0xa1: {  	[sflag:s22] =	ssyncadd.s32 s5;
	_ =	sdelay $0x1  }
0xa2: {  	s23 =	simm.s32 $0x1B8B  }
0xa3: {  	_ =	swait.ge [sflag:s23], $0x1  }
0xa4: {  	[sflag:s23] =	ssyncset.done $0x0  }
0xa5: {  	s25 =	simm.s32 $0x1B8E;
	s24 =	sld [smem:$0x3FFE];
	[sflag:s23] =	ssyncadd.s32 $0xFFFFFFFF  }
0xa6: {  	s26 =	simm.s32 $execute0_lowered;
	[smem:$0x3FD2] =	sst s25  }
0xa7: {  	s6 =	sshll.u32 s26, $0x1;
	_ =	strace $0x80000046;
	[dreg:$0x1] =	wrdreg $0xFFFFFFFF  }
0xa8: {  	s28 =	simm.s32 $_size_execute0_lowered;
	s4 =	sadd.s32 s4, s6;
	[dreg:$0x0] =	wrdreg $0x0  }
0xa9: {  	s6 =	sshll.u32 s28, $0x1;
	[dreg:$0x2] =	wrdreg s4  }
0xaa: {  	[dreg:$0x3] =	wrdreg s6  }
0xab: {  	[dreg:$0x4] =	wrdreg $0xC0  }
0xac: {  	_ =	task [dreg:s8], $0x5FFFF  }
0xad: {  	[dreg:$0x1] =	wrdreg $0xFFFFFFFF  }
0xae: {  	[dreg:$0x0] =	wrdreg $0x60  }
0xaf: {  	[dreg:$0x2] =	wrdreg s2  }
0xb0: {  	[dreg:$0x3] =	wrdreg s24  }
0xb1: {  	[dreg:$0x4] =	wrdreg s18  }
0xb2: {  	[dreg:$0x5] =	wrdreg $0x9  }
0xb3: {  	_ =	task.clear_ibuf [dreg:s8], $0x6FFFF;
	_ =	strace $0x90000046  }
0xb4: {  	s29 =	simm.s32 $0x9;
	_ =	strace $0x80000048  }
0xb5: {  	_ =	swait.ge [sflag:s29], $0x1  }
0xb6: {  	[sflag:s29] =	ssyncadd.s32 $0xFFFFFFFF  }
0xb7: {  	_ =	strace $0x90000048  }
0xb8: {  	_ =	sfence  }
0xb9: {  	s30 =	sld [smem:$0x0];
	_ =	sdelay $0x2  }
0xba: {  	s31 =	sshll.u32 s1, $0xD;
	s1 =	sshrl.u32 s1, $0x2  }
0xbb: {  	s3 =	sand.u32 $0x4000, s31;
	s1 =	sadd.s32 s1, s30  }
0xbc: {  	s0 =	sor.u32 s3, s0;
	s1 =	sshll.u32 s1, $0x11  }
0xbd: {  	s0 =	sor.u32 s1, s0  }
0xbe: {  	s0 =	sadd.s32 $0x8F2B, s0  }
0xbf: {  	[sflag:s0] =	ssyncadd.remote.s32 $0x1  }
0xc0: {  	_ =	sfence.sel $0xFFFF  }
0xc1: {  	[dreg:$0x0] =	wrdreg $0xFFFFFFFF;
	(pc) =	sbr.abs _section_cstart, $3  }
0xc2: {  	[dreg:$0x1] =	wrdreg $0xFFFFFFFF  }
0xc3: {  	_ =	task.clear_ibuf [dreg:s8], $0x2FFFF;
	_ =	strace $0x9FFFFFFF  }
0xc4: {  	(tm) =	ssettm $0x7FFFFFFF  }
0xc5: {  	_ =	shalt  }
tec
execute0_lowered:
.L_overlay_start_1:
0x0: {  	(tag) =	ssettag $0x1  }
0x1: {  	v0 =	vlaneseq.u32  }
0x2: {  	v1 =	vimm.s32 $0xFEDCBA9;
	v2 =	vimm.s32 $0x7;
	vm11 =	vcmask $0x300  }
0x3: {  	v3 =	vimm.s32 $0x87654321;
	vm12 =	vcmask $0x704;
	vm13 =	vcmask $0xB08  }
0x4: {  	vm10 =	vcmask $0xF0C;
	vm7 =	vcmask $0x1310;
	vm8 =	vcmask $0x1714  }
0x5: {  	vm9 =	vcmask $0x1B18;
	vm6 =	vcmask $0x2320;
	vm5 =	vcmask $0x2724  }
0x6: {  	vm4 =	vcmask $0x2B28;
	vm1 =	vcmask $0x2F2C;
	v4 =	vimm.s32 $0x87  }
0x7: {  	vm0 =	vcmask $0x3330;
	v5 =	vimm.s32 $0x10FEDCBA;
	v6 =	vimm.s32 $0x98765432  }
0x8: {  	vm2 =	vcmask $0x3734;
	vm3 =	vcmask $0x3B38;
	v8 =	vimm.s32 $0x210FEDCB  }
0x9: {  	v9 =	vimm.s32 $0xA9876543;
	v10 =	vimm.s32 $0x3210FEDC;
	v11 =	vimm.s32 $0xBA987654  }
0xa: {  	v12 =	vimm.s32 $0x21076543;
	v18 =	vimm.s32 $0x43210765;
	v20 =	vimm.s32 $0x6543210F  }
0xb: {  	v21 =	vimm.s32 $0xEDCBA987;
	v22 =	vimm.s32 $0x76543210;
	v23 =	vimm.s32 $0x65432107  }
0xc: {  	v1 =	vunpack.c.l.s4.s8 v1;
	v2 =	vsel vm11, $0x80, v2;
	v3 =	vunpack.c.l.s4.s8 v3  }
0xd: {  	v13 =	vand.u32 $0x7, v0;
	v4 =	vsel vm11, $0x100, v4;
	v5 =	vunpack.c.l.s4.s8 v5  }
0xe: {  	v6 =	vunpack.c.l.s4.s8 v6;
	v8 =	vunpack.c.l.s4.s8 v8;
	v9 =	vunpack.c.l.s4.s8 v9  }
0xf: {  	v10 =	vunpack.c.l.s4.s8 v10;
	v11 =	vunpack.c.l.s4.s8 v11;
	v20 =	vunpack.c.l.s4.s8 v20  }
0x10: {  	v21 =	vunpack.c.l.s4.s8 v21;
	v22 =	vunpack.c.l.s4.s8 v22;
	v23 =	vunpack.c.l.s4.s8 v23  }
0x11: {  	v2 =	vsel vm12, $0x101, v2;
	v4 =	vsel vm12, $0x181, v4;
	v19 =	vunpack.c.0.s8.s32 v1  }
0x12: {  	v1 =	vsel vm13, $0x182, v2;
	v25 =	vunpack.c.0.s8.s32 v3;
	v3 =	vmul.u32 $0x81, v13  }
0x13: {  	v4 =	vsel vm13, $0x202, v4;
	v26 =	vunpack.c.0.s8.s32 v6;
	v27 =	vunpack.c.0.s8.s32 v8  }
0x14: {  	v28 =	vunpack.c.0.s8.s32 v9;
	v29 =	vunpack.c.0.s8.s32 v10;
	v2 =	vcombine.low v25, v19  }
0x15: {  	v30 =	vunpack.c.0.s8.s32 v11;
	v10 =	vunpack.c.l.s4.s8 v12;
	v1 =	vsel vm10, $0x203, v1  }
0x16: {  	v1 =	vsel vm7, $0x284, v1;
	v38 =	vand.u32 $0xF, v2;
	v2 =	vimm.s32 $0x7654321  }
0x17: {  	v4 =	vsel vm10, $0x283, v4;
	v1 =	vsel vm8, $0x305, v1;
	v2 =	vunpack.c.l.s4.s8 v2  }
0x18: {  	v35 =	vunpack.c.0.s8.s32 v20;
	v4 =	vsel vm7, $0x304, v4;
	v1 =	vsel vm9, $0x386, v1  }
0x19: {  	v4 =	vsel vm8, $0x385, v4;
	v1 =	vsel vm6, $0x80, v1;
	v2 =	vunpack.c.0.s8.s32 v2  }
0x1a: {  	v36 =	vunpack.c.0.s8.s32 v21;
	v4 =	vsel vm9, $0x6, v4;
	v1 =	vsel vm5, $0x101, v1  }
0x1b: {  	v1 =	vsel vm4, $0x182, v1;
	[tilespmem:$0x1FF00] =	vst v2;
	v2 =	vsel vm6, $0x100, v4;
	v4 =	vimm.s32 $0x107  }
0x1c: {  	v9 =	vcombine.low v28, v27;
	v1 =	vsel vm1, $0x203, v1;
	v4 =	vsel vm11, $0x180, v4  }
0x1d: {  	v12 =	vcombine.low v30, v29;
	v7 =	vsel vm0, $0x284, v1;
	v4 =	vsel vm12, $0x201, v4  }
0x1e: {  	v1 =	vunpack.c.0.s8.s32 v5;
	v2 =	vsel vm5, $0x181, v2;
	v4 =	vsel vm13, $0x282, v4  }
0x1f: {  	v8 =	vunpack.c.0.s8.s32 v10;
	v2 =	vsel vm4, $0x202, v2;
	v4 =	vsel vm10, $0x303, v4  }
0x20: {  	v6 =	vcombine.low v26, v1;
	v2 =	vsel vm1, $0x283, v2;
	v4 =	vsel vm7, $0x384, v4  }
0x21: {  	[tilespmem:$0x1FEF0] =	vst v3;
	v3 =	vimm.s32 $0xCBA98765;
	v2 =	vsel vm0, $0x304, v2;
	v4 =	vsel vm8, $0x5, v4  }
0x22: {  	v15 =	vand.u32 $0xF, v6;
	v2 =	vsel vm2, $0x385, v2;
	v4 =	vsel vm9, $0x86, v4  }
0x23: {  	v6 =	vsel vm3, $0x6, v2;
	v2 =	vsel vm6, $0x180, v4;
	v4 =	vimm.s32 $0x187  }
0x24: {  	v3 =	vunpack.c.l.s4.s8 v3;
	v14 =	vand.u32 $0xF, v9;
	v4 =	vsel vm11, $0x200, v4  }
0x25: {  	v10 =	vmovc v13;
	v11 =	vand.u32 $0xF, v12;
	v13 =	vimm.s32 $0x207;
	v4 =	vsel vm12, $0x281, v4  }
0x26: {  	v9 =	vimm.s32 $0xDCBA9876;
	v13 =	vsel vm11, $0x280, v13;
	v4 =	vsel vm13, $0x302, v4  }
0x27: {  	v32 =	vunpack.c.0.s8.s32 v3;
	v2 =	vsel vm5, $0x201, v2;
	v4 =	vsel vm10, $0x383, v4  }
0x28: {  	v9 =	vunpack.c.l.s4.s8 v9;
	v2 =	vsel vm4, $0x282, v2;
	v4 =	vsel vm7, $0x4, v4  }
0x29: {  	v12 =	vmovc v14;
	v14 =	vimm.s32 $0x43210FED;
	v2 =	vsel vm1, $0x303, v2;
	v4 =	vsel vm8, $0x85, v4  }
0x2a: {  	v13 =	vsel vm12, $0x301, v13;
	v2 =	vsel vm0, $0x384, v2;
	v4 =	vsel vm9, $0x106, v4  }
0x2b: {  	v14 =	vunpack.c.l.s4.s8 v14;
	v2 =	vsel vm2, $0x5, v2;
	v4 =	vsel vm6, $0x200, v4  }
0x2c: {  	v17 =	vsel vm3, $0x86, v2;
	v2 =	vsel vm5, $0x281, v4;
	v4 =	vimm.s32 $0x32107654  }
0x2d: {  	v34 =	vunpack.c.0.s8.s32 v9;
	v9 =	vimm.s32 $0x307;
	v4 =	vunpack.c.l.s4.s8 v4  }
0x2e: {  	v16 =	vsel vm13, $0x382, v13;
	v9 =	vsel vm11, $0x380, v9;
	v31 =	vunpack.c.0.s8.s32 v14  }
0x2f: {  	v2 =	vsel vm4, $0x302, v2;
	v51 =	vunpack.c.0.s8.s32 v4;
	v4 =	vsel vm10, $0x3, v16  }
0x30: {  	v14 =	vimm.s32 $0x287;
	v2 =	vsel vm1, $0x383, v2;
	v4 =	vsel vm7, $0x84, v4  }
0x31: {  	v9 =	vsel vm12, $0x1, v9;
	v2 =	vsel vm0, $0x4, v2;
	v4 =	vsel vm8, $0x105, v4  }
0x32: {  	v16 =	vsel vm11, $0x300, v14;
	v2 =	vsel vm2, $0x85, v2;
	v4 =	vsel vm9, $0x186, v4  }
0x33: {  	v14 =	vsel vm3, $0x106, v2;
	v2 =	vsel vm6, $0x280, v4;
	v4 =	vsel vm12, $0x381, v16  }
0x34: {  	v5 =	vsel vm2, $0x305, v7;
	v7 =	vimm.s32 $0x10765432;
	v4 =	vsel vm13, $0x2, v4  }
0x35: {  	v9 =	vsel vm13, $0x82, v9;
	v41 =	vsel vm3, $0x386, v5;
	v4 =	vsel vm10, $0x83, v4  }
0x36: {  	v7 =	vunpack.c.l.s4.s8 v7;
	v16 =	vimm.s32 $0x543210FE;
	v4 =	vsel vm7, $0x104, v4  }
0x37: {  	v2 =	vsel vm5, $0x301, v2;
	v16 =	vunpack.c.l.s4.s8 v16;
	v4 =	vsel vm8, $0x185, v4  }
0x38: {  	s6 =	rddreg [dreg:$0x0];
	v3 =	vcombine.low v32, v31;
	v2 =	vsel vm4, $0x382, v2;
	v4 =	vsel vm9, $0x206, v4  }
0x39: {  	s4 =	rddreg [dreg:$0x1];
	v33 =	vunpack.c.0.s8.s32 v16;
	v2 =	vsel vm1, $0x3, v2;
	v4 =	vsel vm6, $0x300, v4  }
0x3a: {  	s1 =	rddreg [dreg:$0x2];
	s3 =	simm.s32 $0x0;
	v16 =	vunpack.c.l.s4.s8 v18;
	v2 =	vsel vm0, $0x84, v2;
	v4 =	vsel vm5, $0x381, v4  }
0x3b: {  	[smem:$0x7FF] =	sst s3;
	v21 =	vsel vm10, $0x103, v9;
	v2 =	vsel vm2, $0x105, v2;
	v4 =	vsel vm4, $0x2, v4  }
0x3c: {  	s0 =	rddreg [dreg:$0x3];
	_ =	strace $0x80000047;
	v13 =	vunpack.c.0.s8.s32 v16;
	v16 =	vsel vm3, $0x186, v2;
	v2 =	vsel vm1, $0x83, v4  }
0x3d: {  	[tilespmem:$0x1FFA0] =	vst v10;
	v24 =	vand.u32 $0xF, v3;
	v4 =	vimm.s32 $0x54321076;
	v2 =	vsel vm0, $0x104, v2  }
0x3e: {  	[tilespmem:$0x1FFE0] =	vst v8;
	v3 =	vunpack.c.0.s8.s32 v23;
	v4 =	vunpack.c.l.s4.s8 v4;
	v2 =	vsel vm2, $0x185, v2  }
0x3f: {  	[tilespmem:$0x1FFB0] =	vst v41;
	v9 =	vsel vm3, $0x206, v2;
	v2 =	vsel vm7, $0x184, v21;
	v21 =	vimm.s32 $0xFEDCBA98  }
0x40: {  	v7 =	vunpack.c.0.s8.s32 v7;
	[tilespmem:$0x1FF20] =	vst v24;
	v2 =	vsel vm8, $0x205, v2;
	v21 =	vunpack.c.l.s4.s8 v21  }
0x41: {  	[tilespmem:$0x1FF70] =	vst v3;
	v5 =	vunpack.c.0.s8.s32 v4;
	v4 =	vcombine.low v36, v35;
	v2 =	vsel vm9, $0x286, v2  }
0x42: {  	[tilespmem:$0x1FFC0] =	vst v7;
	v2 =	vsel vm6, $0x380, v2;
	v37 =	vunpack.c.0.s8.s32 v21  }
0x43: {  	s5 =	srdreg.scid;
	s2 =	stileid.u32;
	[tilespmem:$0x1FFD0] =	vst v6;
	v21 =	vand.u32 $0xF, v4;
	v4 =	vunpack.c.0.s8.s32 v22;
	v2 =	vsel vm5, $0x1, v2  }
0x44: {  	s10 =	simm.s32 $0x6400;
	s11 =	simm.s32 $0x8400;
	s12 =	simm.s32 $0x1;
	[tilespmem:$0x1FFF0] =	vst v17;
	v2 =	vsel vm4, $0x82, v2;
	v23 =	vand.u32 $0xF, v37  }
0x45: {  	s13 =	simm.s32 $0xA400;
	s14 =	simm.s32 $0x400;
	s15 =	simm.s32 $0x8000;
	[tilespmem:$0x1FF90] =	vst v51;
	v2 =	vsel vm1, $0x103, v2;
	v23 =	vcombine.low v23, v4;
	v4 =	vcombine.low v19, v25  }
0x46: {  	s16 =	simm.s32 $0x2;
	s17 =	simm.s32 $0x4;
	s18 =	simm.s32 $0xC400;
	v27 =	vcombine.low v27, v28;
	v1 =	vcombine.low v1, v26;
	[tilespmem:$0x1FF10] =	vst v14;
	v2 =	vsel vm0, $0x184, v2  }
0x47: {  	s19 =	simm.s32 $0x3;
	s5 =	sand.u32 $0x1, s5;
	s7 =	sshll.u32 s2, $0x1;
	v18 =	vcombine.low v34, v33;
	[tilespmem:$0x1FF30] =	vst v13;
	v2 =	vsel vm2, $0x205, v2;
	v25 =	vand.u32 $0xF, v4  }
0x48: {  	s20 =	simm.s32 $0x0;
	s8 =	ssub.s32 $0x2, s5;
	s5 =	sor.u32 s5, s7;
	[tilespmem:$0x1FF40] =	vst v16;
	v4 =	vcombine.low v33, v34;
	v19 =	vsel vm3, $0x286, v2;
	v2 =	vcombine.low v29, v30  }
0x49: {  	s4 =	sadd.s32 $0xF42800, s4;
	s31 =	sshrl.u32 s8, $0x1;
	s9 =	smul.u32 $0xC80, s5;
	v27 =	vand.u32 $0xF, v27;
	[tilespmem:$0x1FF60] =	vst v9;
	v29 =	vcombine.low v31, v32;
	v31 =	vcombine.low v35, v36  }
0x4a: {  	s5 =	smul.u32 $0xC8, s5;
	s7 =	ssub.s32 s8, s31;
	s8 =	simm.s32 $0x5;
	v26 =	vand.u32 $0xF, v1;
	v18 =	vand.u32 $0xF, v18;
	[tilespmem:$0x1FF50] =	vst v5;
	v30 =	vand.u32 $0xF, v4  }
0x4b: {  	s6 =	sadd.s32 s6, s9;
	s7 =	smax.u32 s7, $0x1;
	s9 =	simm.s32 $0x80;
	[tilespmem:$0x1FF80] =	vst v19;
	v28 =	vand.u32 $0xF, v2;
	v29 =	vand.u32 $0xF, v29;
	v31 =	vand.u32 $0xF, v31  }
.LBB2_1:
0x4c: {  	[tilespmem:s3], [sflag:$0x5] =	stream.linear.gather [hbm4b:s6+s3], $0x6400, $0x38;
	[tilespmem:$0xE400] =	vst v63  }
0x4d: {  	_ =	swait.ge [sflag:s8], $0x6400  }
0x4e: {  	[sflag:s8] =	ssyncset.done $0x0  }
0x4f: {  	s21 =	simm.s32 $0x0;
	[sflag:s8] =	ssyncadd.s32 $0xFFFF9C00  }
0x50: {  	[tilespmem:s10], [sflag:$0x1] =	stream.indirect.gather [hbm4b:s4+s9], $0x40, s3, s9, $0xb8;
	[tilespmem:$0xE400] =	vst v63  }
.LBB2_2:
0x51: {  	s22 =	sshllo.u32 s21, $0x1  }
0x52: {  	s23 =	sshll.u32 s22, $0x7  }
0x53: {  	s28 =	sand.u32 $0x3FFFFF80, s23  }
0x54: {  	[tilespmem:s11], [sflag:$0x2] =	stream.indirect.gather [hbm4b:s4+s9], $0x40, s28, s9, $0xb8;
	[tilespmem:$0xE400] =	vst v63  }
0x55: {  	s24 =	simm.s32 $0x0;
	p0 =	seq.s32 s21, $0x0;
	_ =	swait.ge [sflag:s12], $0x2000  }
0x56: {  	s26 =	sand.u32 $0x70, s24;
	s25 =	sand.u32 $0x20, s24;
	[sflag:s12] =	ssyncset.done $0x0  }
0x57: {  	v1 =	vor.u32 s26, v0;
	s23 =	sor.u32 $0x10, s25;
	s26 =	simm.s32 @!p0 $0x3;
	[sflag:s12] =	ssyncadd.s32 $0xFFFFE000  }
0x58: {  	v42 =	vshll.u32 v1, $0x6;
	v2 =	vor.u32 s23, v0;
	_ =	swait.ge @!p0 [sflag:s26], $0x2000  }
0x59: {  	v32 =	vor.u32 s25, v0;
	v46 =	vor.u32 v10, v42;
	v4 =	vand.u32 $0x38, v2;
	v20 =	vld [tilespmem:$0x1FEF0]  }
0x5a: {  	v34 =	vor.u32 s25, v38;
	v33 =	vand.u32 $0x28, v32;
	v4 =	vor.u32 v4, v46;
	v22 =	vld [tilespmem:$0x1FF00]  }
0x5b: {  	v57 =	vor.u32 s25, v15;
	v59 =	vor.u32 s25, v12;
	v33 =	vor.u32 v33, v46  }
0x5c: {  	v60 =	vor.u32 s25, v11;
	v53 =	vor.u32 s25, v21;
	v32 =	vshll.u32 v32, $0x7  }
0x5d: {  	v44 =	vand.u32 $0x78, v1;
	v1 =	vshll.u32 v2, $0x7;
	v2 =	vor.u32 s23, v38;
	[sflag:s26] =	ssyncset.done @!p0 $0x0  }
0x5e: {  	v32 =	vand.u32 $0x1400, v32;
	v1 =	vand.u32 $0x1C00, v1;
	[sflag:s26] =	ssyncadd.s32 @!p0 $0xFFFFE000;
	v47 =	vor.u32 v20, v44  }
0x5f: {  	v35 =	vand.u32 $0x38, v2;
	v4 =	vld.idx.msk [tilespmem:v4+s10+$0x0], $0xffff;
	v45 =	vor.u32 v22, v42;
	v1 =	vor.u32 v1, v47  }
0x60: {  	v36 =	vand.u32 $0x28, v34;
	v37 =	vld.idx.msk [tilespmem:v33+s10+$0x0], $0xffff;
	v35 =	vor.u32 v35, v45;
	v55 =	vor.u32 v32, v47  }
0x61: {  	v56 =	vshll.u32 v34, $0x7;
	v40 =	vand.u32 $0x28, v57;
	v36 =	vor.u32 v36, v45  }
0x62: {  	v58 =	vor.u32 s23, v15;
	v34 =	vshll.u32 v57, $0x7;
	v62 =	vand.u32 $0x28, v59  }
0x63: {  	v49 =	vor.u32 s23, v12;
	v63 =	vand.u32 $0x28, v60;
	v2 =	vshll.u32 v2, $0x7  }
0x64: {  	v2 =	vand.u32 $0x1C00, v2;
	v33 =	vor.u32 v41, v44;
	v32 =	vor.u32 v7, v42;
	[tilespmem:v1+s13+$0x0] =	vst.idx.msk $0xffff, v4  }
0x65: {  	v39 =	vand.u32 $0x1400, v56;
	v1 =	vor.u32 v2, v33;
	v4 =	vand.u32 $0x38, v58;
	[tilespmem:v55+s13+$0x0] =	vst.idx.msk $0xffff, v37;
	v2 =	vld.idx.msk [tilespmem:v35+s10+$0x0], $0xffff  }
0x66: {  	v54 =	vshll.u32 v60, $0x7;
	v39 =	vor.u32 v39, v33;
	v4 =	vor.u32 v4, v32;
	v36 =	vld.idx.msk [tilespmem:v36+s10+$0x0], $0xffff  }
0x67: {  	v50 =	vor.u32 s23, v11;
	v60 =	vor.u32 s25, v18;
	v40 =	vor.u32 v40, v32  }
0x68: {  	v43 =	vand.u32 $0x1400, v34;
	v61 =	vshll.u32 v58, $0x7;
	v34 =	vor.u32 v8, v42  }
0x69: {  	v0 =	vmovc v38;
	v56 =	vshll.u32 v49, $0x7;
	v57 =	vand.u32 $0x1400, v54;
	v38 =	vor.u32 v13, v42  }
0x6a: {  	v48 =	vand.u32 $0x1C00, v61;
	v41 =	vor.u32 v62, v34;
	v35 =	vor.u32 v6, v44;
	[tilespmem:v1+s13+$0x0] =	vst.idx.msk $0xffff, v2  }
0x6b: {  	v62 =	vor.u32 s23, v24;
	v48 =	vor.u32 v48, v35;
	v1 =	vand.u32 $0x38, v49;
	[tilespmem:v39+s13+$0x0] =	vst.idx.msk $0xffff, v36;
	v4 =	vld.idx.msk [tilespmem:v4+s10+$0x0], $0xffff  }
0x6c: {  	v37 =	vshll.u32 v59, $0x7;
	v2 =	vor.u32 v43, v35;
	v1 =	vor.u32 v1, v34;
	v40 =	vld.idx.msk [tilespmem:v40+s10+$0x0], $0xffff  }
0x6d: {  	v58 =	vand.u32 $0x38, v50;
	v59 =	vor.u32 s25, v24;
	v50 =	vshll.u32 v50, $0x7  }
0x6e: {  	v55 =	vand.u32 $0x1400, v37;
	v37 =	vor.u32 v17, v44;
	v54 =	vand.u32 $0x28, v59  }
0x6f: {  	v61 =	vand.u32 $0x1C00, v50;
	v50 =	vshll.u32 v62, $0x7;
	v52 =	vor.u32 v55, v37  }
0x70: {  	v54 =	vor.u32 v54, v38;
	v50 =	vand.u32 $0x1C00, v50;
	v39 =	vand.u32 $0x1C00, v56;
	[tilespmem:v48+s13+$0x0] =	vst.idx.msk $0xffff, v4  }
0x71: {  	v36 =	vor.u32 v51, v42;
	v51 =	vor.u32 v39, v37;
	[tilespmem:v2+s13+$0x0] =	vst.idx.msk $0xffff, v40;
	v1 =	vld.idx.msk [tilespmem:v1+s10+$0x0], $0xffff  }
0x72: {  	v43 =	vor.u32 v63, v36;
	v39 =	vor.u32 v14, v44;
	v4 =	vor.u32 v58, v36;
	v41 =	vld.idx.msk [tilespmem:v41+s10+$0x0], $0xffff  }
0x73: {  	v63 =	vand.u32 $0x38, v62;
	v55 =	vor.u32 v61, v39;
	v49 =	vor.u32 v57, v39  }
0x74: {  	v56 =	vor.u32 v63, v38;
	v57 =	vshll.u32 v60, $0x7;
	v2 =	vshll.u32 v59, $0x7  }
0x75: {  	v48 =	vand.u32 $0x1400, v57;
	v58 =	vshll.u32 v53, $0x7;
	v40 =	vor.u32 v16, v44  }
0x76: {  	v57 =	vor.u32 s23, v18;
	v2 =	vand.u32 $0x1400, v2;
	v50 =	vor.u32 v50, v40;
	[tilespmem:v51+s13+$0x0] =	vst.idx.msk $0xffff, v1  }
0x77: {  	v61 =	vshll.u32 v57, $0x7;
	v2 =	vor.u32 v2, v40;
	v1 =	vand.u32 $0x28, v60;
	[tilespmem:v52+s13+$0x0] =	vst.idx.msk $0xffff, v41;
	v4 =	vld.idx.msk [tilespmem:v4+s10+$0x0], $0xffff  }
0x78: {  	v51 =	vand.u32 $0x28, v53;
	v53 =	vand.u32 $0x1400, v58;
	v52 =	vor.u32 s25, v23;
	v43 =	vld.idx.msk [tilespmem:v43+s10+$0x0], $0xffff  }
0x79: {  	v41 =	vor.u32 v5, v42;
	v58 =	vand.u32 $0x38, v57;
	v42 =	vor.u32 v3, v42  }
0x7a: {  	v60 =	vor.u32 v1, v41;
	v1 =	vand.u32 $0x28, v52;
	v52 =	vshll.u32 v52, $0x7  }
0x7b: {  	v58 =	vor.u32 v58, v41;
	v5 =	vor.u32 v1, v46;
	v1 =	vand.u32 $0x1400, v52  }
0x7c: {  	v57 =	vor.u32 s25, v27;
	v51 =	vor.u32 v51, v42;
	v1 =	vor.u32 v1, v47;
	[tilespmem:v55+s13+$0x0] =	vst.idx.msk $0xffff, v4  }
0x7d: {  	v4 =	vor.u32 s25, v25;
	[tilespmem:v49+s13+$0x0] =	vst.idx.msk $0xffff, v43;
	v55 =	vor.u32 s25, v26;
	v43 =	vor.u32 v9, v44;
	v52 =	vld.idx.msk [tilespmem:v56+s10+$0x0], $0xffff  }
0x7e: {  	v49 =	vand.u32 $0x1C00, v61;
	v44 =	vor.u32 v19, v44;
	v9 =	vlaneseq.u32;
	v54 =	vld.idx.msk [tilespmem:v54+s10+$0x0], $0xffff  }
0x7f: {  	v59 =	vand.u32 $0x28, v4;
	v4 =	vshll.u32 v4, $0x7;
	v56 =	vor.u32 s23, v21  }
0x80: {  	v49 =	vor.u32 v49, v43;
	v48 =	vor.u32 v48, v43;
	v53 =	vor.u32 v53, v44  }
0x81: {  	v63 =	vor.u32 v59, v45;
	v4 =	vand.u32 $0x1400, v4;
	v62 =	vand.u32 $0x38, v56  }
0x82: {  	[tilespmem:v50+s13+$0x0] =	vst.idx.msk $0xffff, v52;
	v50 =	vor.u32 v62, v42;
	v62 =	vor.u32 v4, v33;
	v4 =	vshll.u32 v55, $0x7  }
0x83: {  	v55 =	vand.u32 $0x28, v55;
	[tilespmem:v2+s13+$0x0] =	vst.idx.msk $0xffff, v54;
	v2 =	vand.u32 $0x28, v57;
	v52 =	vld.idx.msk [tilespmem:v58+s10+$0x0], $0xffff;
	v4 =	vand.u32 $0x1400, v4  }
0x84: {  	v57 =	vshll.u32 v57, $0x7;
	v61 =	vor.u32 v55, v32;
	v59 =	vor.u32 v4, v35;
	v4 =	vld.idx.msk [tilespmem:v60+s10+$0x0], $0xffff  }
0x85: {  	v54 =	vand.u32 $0x1400, v57;
	v55 =	vor.u32 s23, v23;
	v57 =	vor.u32 s25, v28  }
0x86: {  	v60 =	vor.u32 v2, v34;
	v2 =	vshll.u32 v56, $0x7;
	v56 =	vand.u32 $0x38, v55  }
0x87: {  	v54 =	vor.u32 v54, v37;
	v58 =	vand.u32 $0x28, v57;
	v2 =	vand.u32 $0x1C00, v2  }
0x88: {  	v55 =	vshll.u32 v55, $0x7;
	v56 =	vor.u32 v56, v46;
	v2 =	vor.u32 v2, v44;
	[tilespmem:v49+s13+$0x0] =	vst.idx.msk $0xffff, v52  }
0x89: {  	v52 =	vshll.u32 v57, $0x7;
	v57 =	vor.u32 v58, v36;
	v50 =	vld.idx.msk [tilespmem:v50+s10+$0x0], $0xffff;
	[tilespmem:v48+s13+$0x0] =	vst.idx.msk $0xffff, v4;
	v4 =	vor.u32 s25, v29  }
0x8a: {  	v52 =	vand.u32 $0x1400, v52;
	v48 =	vld.idx.msk [tilespmem:v51+s10+$0x0], $0xffff;
	v58 =	vand.u32 $0x28, v4;
	v4 =	vshll.u32 v4, $0x7  }
0x8b: {  	v52 =	vor.u32 v52, v39;
	v49 =	vor.u32 v58, v38;
	v4 =	vand.u32 $0x1400, v4  }
0x8c: {  	v58 =	vor.u32 s25, v30;
	v46 =	vor.u32 v4, v40;
	v4 =	vand.u32 $0x1C00, v55  }
0x8d: {  	v6 =	vmovc v15;
	v55 =	vor.u32 s23, v25;
	v51 =	vor.u32 v4, v47;
	v4 =	vand.u32 $0x28, v58  }
0x8e: {  	v15 =	vmovc v11;
	[tilespmem:v2+s13+$0x0] =	vst.idx.msk $0xffff, v50;
	v2 =	vand.u32 $0x38, v55;
	v47 =	vor.u32 v4, v41;
	v50 =	vshll.u32 v58, $0x7  }
0x8f: {  	v58 =	vor.u32 s25, v31;
	[tilespmem:v53+s13+$0x0] =	vst.idx.msk $0xffff, v48;
	v56 =	vld.idx.msk [tilespmem:v56+s10+$0x0], $0xffff;
	v4 =	vor.u32 v2, v45;
	v53 =	vand.u32 $0x1400, v50  }
0x90: {  	s28 =	simm.s32 $0x8;
	s26 =	simm.s32 $0x0;
	v3 =	vmovc v0;
	v0 =	vmovc v19;
	s25 =	sshll.u32 s21, $0x1;
	v50 =	vand.u32 $0x28, v58;
	v48 =	vshll.u32 v58, $0x7;
	v2 =	vld.idx.msk [tilespmem:v5+s10+$0x0], $0xffff;
	v45 =	vor.u32 v53, v43  }
.LBB2_3:
0x91: {  	_ = 	snop  }
0x92: {  	v48 =	vand.u32 $0x1400, v48  }
0x93: {  	s24 =	sadd.s32 $0x20, s24;
	v53 =	vor.u32 v48, v44;
	v48 =	vshll.u32 v55, $0x7  }
0x94: {  	s29 =	sand.u32 $0x70, s28;
	v58 =	vor.u32 v50, v42;
	s31 =	sand.u32 $0x20, s24;
	v48 =	vand.u32 $0x1C00, v48;
	[tilespmem:v51+s13+$0x0] =	vst.idx.msk $0xffff, v56  }
0x95: {  	v5 =	vor.u32 s29, v9;
	s30 =	sor.u32 $0x10, s31;
	v51 =	vor.u32 s23, v26;
	[tilespmem:v1+s13+$0x0] =	vst.idx.msk $0xffff, v2;
	v1 =	vor.u32 v48, v33;
	v4 =	vld.idx.msk [tilespmem:v4+s10+$0x0], $0xffff  }
0x96: {  	v55 =	vshll.u32 v5, $0x6;
	v7 =	vor.u32 s30, v9;
	v2 =	vand.u32 $0x38, v51  }
0x97: {  	v50 =	vor.u32 v10, v55;
	v48 =	vand.u32 $0x38, v7;
	v2 =	vor.u32 v2, v32  }
0x98: {  	v33 =	vor.u32 v48, v50;
	v32 =	vor.u32 s31, v9  }
0x99: {  	v56 =	vand.u32 $0x28, v32  }
0x9a: {  	v11 =	vor.u32 v56, v50;
	[tilespmem:v1+s13+$0x0] =	vst.idx.msk $0xffff, v4;
	v1 =	vshll.u32 v51, $0x7  }
0x9b: {  	v56 =	vand.u32 $0x78, v5;
	v5 =	vshll.u32 v7, $0x7;
	v1 =	vand.u32 $0x1C00, v1  }
0x9c: {  	v5 =	vand.u32 $0x1C00, v5;
	v51 =	vor.u32 v20, v56;
	v2 =	vld.idx.msk [tilespmem:v2+s10+$0x0], $0xffff;
	v1 =	vor.u32 v1, v35  }
0x9d: {  	v7 =	vld.idx.msk [tilespmem:v33+s10+$0x0], $0xffff;
	v5 =	vor.u32 v5, v51;
	_ =	sdelay $0x1  }
0x9e: {  	v63 =	vld.idx.msk [tilespmem:v63+s10+$0x0], $0xffff  }
0x9f: {  	v14 =	vor.u32 s23, v27  }
0xa0: {  	v13 =	vor.u32 s30, v3;
	v4 =	vand.u32 $0x38, v14;
	[tilespmem:v1+s13+$0x0] =	vst.idx.msk $0xffff, v2  }
0xa1: {  	v48 =	vor.u32 v22, v55;
	v33 =	vand.u32 $0x38, v13;
	v4 =	vor.u32 v4, v34;
	[tilespmem:v5+s13+$0x0] =	vst.idx.msk $0xffff, v7;
	v7 =	vld [tilespmem:$0x1FFB0]  }
0xa2: {  	v34 =	vor.u32 v33, v48  }
0xa3: {  	v32 =	vshll.u32 v32, $0x7;
	[tilespmem:v62+s13+$0x0] =	vst.idx.msk $0xffff, v63  }
0xa4: {  	v32 =	vand.u32 $0x1400, v32;
	v11 =	vld.idx.msk [tilespmem:v11+s10+$0x0], $0xffff;
	v1 =	vshll.u32 v14, $0x7  }
0xa5: {  	v35 =	vor.u32 v32, v51;
	v14 =	vld [tilespmem:$0x1FFC0];
	v5 =	vshll.u32 v13, $0x7;
	v1 =	vand.u32 $0x1C00, v1  }
0xa6: {  	v4 =	vld.idx.msk [tilespmem:v4+s10+$0x0], $0xffff;
	v5 =	vand.u32 $0x1C00, v5;
	v1 =	vor.u32 v1, v37;
	v33 =	vor.u32 v7, v56  }
0xa7: {  	v7 =	vld.idx.msk [tilespmem:v34+s10+$0x0], $0xffff;
	v5 =	vor.u32 v5, v33  }
0xa8: {  	v8 =	vor.u32 s31, v3  }
0xa9: {  	v19 =	vmov v10;
	v10 =	vand.u32 $0x28, v8  }
0xaa: {  	v16 =	vor.u32 s23, v28;
	v10 =	vor.u32 v10, v48;
	v61 =	vld.idx.msk [tilespmem:v61+s10+$0x0], $0xffff;
	[tilespmem:v35+s13+$0x0] =	vst.idx.msk $0xffff, v11  }
0xab: {  	v17 =	vor.u32 s30, v6;
	v2 =	vand.u32 $0x38, v16;
	[tilespmem:v1+s13+$0x0] =	vst.idx.msk $0xffff, v4  }
0xac: {  	v11 =	vand.u32 $0x38, v17;
	v2 =	vor.u32 v2, v36;
	v32 =	vor.u32 v14, v55;
	[tilespmem:v5+s13+$0x0] =	vst.idx.msk $0xffff, v7;
	v7 =	vld [tilespmem:$0x1FFD0]  }
0xad: {  	v11 =	vor.u32 v11, v32  }
0xae: {  	v8 =	vshll.u32 v8, $0x7  }
0xaf: {  	v8 =	vand.u32 $0x1400, v8;
	v10 =	vld.idx.msk [tilespmem:v10+s10+$0x0], $0xffff;
	v1 =	vshll.u32 v16, $0x7  }
0xb0: {  	v8 =	vor.u32 v8, v33;
	v16 =	vld [tilespmem:$0x1FFE0];
	v1 =	vand.u32 $0x1C00, v1;
	v5 =	vshll.u32 v17, $0x7  }
0xb1: {  	v1 =	vor.u32 v1, v39;
	v2 =	vld.idx.msk [tilespmem:v2+s10+$0x0], $0xffff;
	v5 =	vand.u32 $0x1C00, v5;
	v35 =	vor.u32 v7, v56  }
0xb2: {  	v7 =	vld.idx.msk [tilespmem:v11+s10+$0x0], $0xffff;
	v5 =	vor.u32 v5, v35;
	_ =	sdelay $0x1  }
0xb3: {  	v62 =	vor.u32 s31, v6;
	[tilespmem:v59+s13+$0x0] =	vst.idx.msk $0xffff, v61  }
0xb4: {  	v63 =	vand.u32 $0x28, v62;
	v61 =	vor.u32 s23, v29;
	v60 =	vld.idx.msk [tilespmem:v60+s10+$0x0], $0xffff;
	[tilespmem:v8+s13+$0x0] =	vst.idx.msk $0xffff, v10  }
0xb5: {  	v14 =	vshll.u32 v62, $0x7;
	v62 =	vor.u32 s30, v12;
	v4 =	vand.u32 $0x38, v61;
	[tilespmem:v1+s13+$0x0] =	vst.idx.msk $0xffff, v2  }
0xb6: {  	v4 =	vor.u32 v4, v38;
	v34 =	vor.u32 v16, v55;
	v8 =	vand.u32 $0x38, v62;
	[tilespmem:v5+s13+$0x0] =	vst.idx.msk $0xffff, v7;
	v7 =	vld [tilespmem:$0x1FFF0]  }
0xb7: {  	v8 =	vor.u32 v8, v34  }
0xb8: {  	v37 =	vor.u32 s31, v15  }
0xb9: {  	v13 =	vor.u32 v63, v32;
	v16 =	vand.u32 $0x28, v37;
	v1 =	vshll.u32 v61, $0x7  }
0xba: {  	v20 =	vld [tilespmem:$0x1FF90];
	v17 =	vshll.u32 v37, $0x7;
	v1 =	vand.u32 $0x1C00, v1;
	v5 =	vshll.u32 v62, $0x7  }
0xbb: {  	v1 =	vor.u32 v1, v40;
	v4 =	vld.idx.msk [tilespmem:v4+s10+$0x0], $0xffff;
	v5 =	vand.u32 $0x1C00, v5;
	v37 =	vor.u32 v7, v56  }
0xbc: {  	v7 =	vld.idx.msk [tilespmem:v8+s10+$0x0], $0xffff;
	v5 =	vor.u32 v5, v37  }
0xbd: {  	v36 =	vor.u32 s31, v12  }
0xbe: {  	v59 =	vand.u32 $0x28, v36  }
0xbf: {  	v14 =	vand.u32 $0x1400, v14;
	v39 =	vor.u32 s23, v30;
	v10 =	vld.idx.msk [tilespmem:v13+s10+$0x0], $0xffff;
	[tilespmem:v54+s13+$0x0] =	vst.idx.msk $0xffff, v60;
	v54 =	vor.u32 s30, v15  }
0xc0: {  	v11 =	vor.u32 v14, v35;
	v14 =	vshll.u32 v36, $0x7;
	v2 =	vand.u32 $0x38, v39;
	[tilespmem:v1+s13+$0x0] =	vst.idx.msk $0xffff, v4  }
0xc1: {  	v36 =	vor.u32 v20, v55;
	v2 =	vor.u32 v2, v41;
	v8 =	vand.u32 $0x38, v54;
	[tilespmem:v5+s13+$0x0] =	vst.idx.msk $0xffff, v7;
	v7 =	vld [tilespmem:$0x1FF10]  }
0xc2: {  	v8 =	vor.u32 v8, v36;
	_ =	sdelay $0x1  }
0xc3: {  	v13 =	vor.u32 v59, v34;
	v60 =	vld.idx.msk [tilespmem:v57+s10+$0x0], $0xffff;
	v1 =	vshll.u32 v39, $0x7  }
0xc4: {  	v20 =	vld [tilespmem:$0x1FF30];
	v1 =	vand.u32 $0x1C00, v1;
	v5 =	vshll.u32 v54, $0x7  }
0xc5: {  	v1 =	vor.u32 v1, v43;
	v2 =	vld.idx.msk [tilespmem:v2+s10+$0x0], $0xffff;
	v5 =	vand.u32 $0x1C00, v5;
	v39 =	vor.u32 v7, v56  }
0xc6: {  	v7 =	vld.idx.msk [tilespmem:v8+s10+$0x0], $0xffff;
	v5 =	vor.u32 v5, v39  }
0xc7: {  	v14 =	vand.u32 $0x1400, v14;
	[tilespmem:v11+s13+$0x0] =	vst.idx.msk $0xffff, v10  }
0xc8: {  	v61 =	vor.u32 s23, v31;
	s23 =	smov.u32 s30;
	v10 =	vld.idx.msk [tilespmem:v13+s10+$0x0], $0xffff;
	[tilespmem:v52+s13+$0x0] =	vst.idx.msk $0xffff, v60;
	v11 =	vor.u32 v14, v37  }
0xc9: {  	v62 =	vor.u32 s23, v24;
	v13 =	vor.u32 v16, v36;
	v49 =	vld.idx.msk [tilespmem:v49+s10+$0x0], $0xffff  }
0xca: {  	v38 =	vor.u32 v20, v55;
	v8 =	vand.u32 $0x38, v62;
	[tilespmem:v1+s13+$0x0] =	vst.idx.msk $0xffff, v2  }
0xcb: {  	v8 =	vor.u32 v8, v38;
	[tilespmem:v5+s13+$0x0] =	vst.idx.msk $0xffff, v7;
	v7 =	vld [tilespmem:$0x1FF40]  }
0xcc: {  	v63 =	vor.u32 s31, v21;
	v4 =	vand.u32 $0x38, v61  }
0xcd: {  	v17 =	vand.u32 $0x1400, v17;
	v14 =	vor.u32 s31, v24;
	v4 =	vor.u32 v4, v42;
	[tilespmem:v11+s13+$0x0] =	vst.idx.msk $0xffff, v10  }
0xce: {  	v40 =	vshll.u32 v63, $0x7;
	v60 =	vand.u32 $0x28, v14;
	v10 =	vld.idx.msk [tilespmem:v13+s10+$0x0], $0xffff;
	[tilespmem:v46+s13+$0x0] =	vst.idx.msk $0xffff, v49;
	v11 =	vor.u32 v17, v39  }
0xcf: {  	v13 =	vor.u32 v60, v38;
	v46 =	vand.u32 $0x28, v63;
	v63 =	vld.idx.msk [tilespmem:v47+s10+$0x0], $0xffff;
	v1 =	vshll.u32 v61, $0x7  }
0xd0: {  	v49 =	vand.u32 $0x1400, v40;
	v1 =	vand.u32 $0x1C00, v1;
	v40 =	vor.u32 v7, v56;
	v7 =	vld.idx.msk [tilespmem:v8+s10+$0x0], $0xffff  }
0xd1: {  	v2 =	vshll.u32 v62, $0x7;
	v8 =	vor.u32 v1, v44;
	v1 =	vld [tilespmem:$0x1FF50]  }
0xd2: {  	v14 =	vshll.u32 v14, $0x7;
	v2 =	vand.u32 $0x1C00, v2;
	v4 =	vld.idx.msk [tilespmem:v4+s10+$0x0], $0xffff  }
0xd3: {  	v14 =	vand.u32 $0x1400, v14;
	[tilespmem:v11+s13+$0x0] =	vst.idx.msk $0xffff, v10;
	v2 =	vor.u32 v2, v40  }
0xd4: {  	v57 =	vor.u32 s31, v25;
	v10 =	vld.idx.msk [tilespmem:v13+s10+$0x0], $0xffff;
	v11 =	vor.u32 v14, v40  }
0xd5: {  	v16 =	vor.u32 s31, v18;
	v54 =	vor.u32 s31, v23;
	v5 =	vor.u32 s23, v18  }
0xd6: {  	v17 =	vand.u32 $0x28, v16;
	[tilespmem:v45+s13+$0x0] =	vst.idx.msk $0xffff, v63;
	v41 =	vor.u32 v1, v55;
	v1 =	vand.u32 $0x38, v5  }
0xd7: {  	v59 =	vld.idx.msk [tilespmem:v58+s10+$0x0], $0xffff;
	[tilespmem:v8+s13+$0x0] =	vst.idx.msk $0xffff, v4;
	v13 =	vor.u32 v17, v41;
	v14 =	vor.u32 v1, v41  }
0xd8: {  	v1 =	vand.u32 $0x28, v54;
	v17 =	vshll.u32 v54, $0x7;
	[tilespmem:v2+s13+$0x0] =	vst.idx.msk $0xffff, v7;
	v2 =	vshll.u32 v5, $0x7;
	v5 =	vld [tilespmem:$0x1FF60]  }
0xd9: {  	[tilespmem:v11+s13+$0x0] =	vst.idx.msk $0xffff, v10;
	v10 =	vld [tilespmem:$0x1FF70];
	v45 =	vor.u32 v1, v50;
	v1 =	vand.u32 $0x1400, v17;
	v17 =	vand.u32 $0x28, v57  }
0xda: {  	v16 =	vshll.u32 v16, $0x7;
	v63 =	vor.u32 v17, v48;
	v17 =	vshll.u32 v57, $0x7  }
0xdb: {  	v16 =	vand.u32 $0x1400, v16;
	v8 =	vor.u32 s31, v26;
	v4 =	vand.u32 $0x1400, v17  }
0xdc: {  	v7 =	vor.u32 s23, v21;
	v2 =	vand.u32 $0x1C00, v2;
	v62 =	vor.u32 v4, v33  }
0xdd: {  	v4 =	vand.u32 $0x28, v8;
	v8 =	vshll.u32 v8, $0x7;
	v43 =	vor.u32 v5, v56  }
0xde: {  	v42 =	vor.u32 v10, v55;
	v10 =	vand.u32 $0x38, v7;
	v61 =	vor.u32 v4, v32  }
0xdf: {  	v5 =	vld.idx.msk [tilespmem:v14+s10+$0x0], $0xffff;
	v4 =	vand.u32 $0x1400, v8;
	v8 =	vor.u32 s31, v27;
	v2 =	vor.u32 v2, v43  }
0xe0: {  	v11 =	vld.idx.msk [tilespmem:v13+s10+$0x0], $0xffff;
	v13 =	vor.u32 v16, v43;
	v14 =	vor.u32 v46, v42;
	v10 =	vor.u32 v10, v42  }
0xe1: {  	[tilespmem:v53+s13+$0x0] =	vst.idx.msk $0xffff, v59;
	v59 =	vor.u32 v4, v35;
	v4 =	vand.u32 $0x28, v8;
	v8 =	vshll.u32 v8, $0x7  }
0xe2: {  	v44 =	vor.u32 v0, v56;
	v60 =	vor.u32 v4, v34;
	v4 =	vand.u32 $0x1400, v8  }
0xe3: {  	v1 =	vor.u32 v1, v51;
	v8 =	vor.u32 v49, v44;
	v54 =	vor.u32 v4, v37  }
0xe4: {  	v4 =	vor.u32 s31, v28;
	[tilespmem:v2+s13+$0x0] =	vst.idx.msk $0xffff, v5;
	v2 =	vshll.u32 v7, $0x7;
	v7 =	vor.u32 s23, v23  }
0xe5: {  	[tilespmem:v13+s13+$0x0] =	vst.idx.msk $0xffff, v11;
	v13 =	vand.u32 $0x28, v4;
	v4 =	vshll.u32 v4, $0x7;
	v5 =	vld.idx.msk [tilespmem:v10+s10+$0x0], $0xffff;
	v2 =	vand.u32 $0x1C00, v2  }
0xe6: {  	v10 =	vand.u32 $0x38, v7;
	v11 =	vld.idx.msk [tilespmem:v14+s10+$0x0], $0xffff;
	v14 =	vor.u32 s31, v29;
	v2 =	vor.u32 v2, v44  }
0xe7: {  	v57 =	vor.u32 v13, v36;
	v4 =	vand.u32 $0x1400, v4;
	v10 =	vor.u32 v10, v50  }
0xe8: {  	s26 =	sadd.s32 $0x2, s26;
	v13 =	vand.u32 $0x28, v14;
	v52 =	vor.u32 v4, v39;
	v4 =	vshll.u32 v14, $0x7  }
0xe9: {  	p1 =	slt.u32 s26, $0x1E;
	v49 =	vor.u32 v13, v38;
	v4 =	vand.u32 $0x1400, v4;
	v13 =	vor.u32 s31, v30  }
.Ltmp0:
0xea: {  	v55 =	vor.u32 s23, v25;
	v46 =	vor.u32 v4, v40;
	v4 =	vand.u32 $0x28, v13;
	(pc) =	sbr.rel @p1 .LBB2_3-.Ltmp0, $4  }
0xeb: {  	v22 =	vld [tilespmem:$0x1FF00];
	v47 =	vor.u32 v4, v41;
	[tilespmem:v2+s13+$0x0] =	vst.idx.msk $0xffff, v5;
	v2 =	vshll.u32 v7, $0x7;
	v5 =	vand.u32 $0x38, v55  }
0xec: {  	v20 =	vld [tilespmem:$0x1FEF0];
	v7 =	vshll.u32 v13, $0x7;
	v2 =	vand.u32 $0x1C00, v2;
	v4 =	vor.u32 v5, v48  }
0xed: {  	[tilespmem:v8+s13+$0x0] =	vst.idx.msk $0xffff, v11;
	v56 =	vld.idx.msk [tilespmem:v10+s10+$0x0], $0xffff;
	v5 =	vand.u32 $0x1400, v7;
	v7 =	vor.u32 s31, v31;
	v51 =	vor.u32 v2, v51  }
0xee: {  	s28 =	sadd.s32 $0x8, s28;
	v10 =	vmovc v19;
	v2 =	vld.idx.msk [tilespmem:v45+s10+$0x0], $0xffff;
	v45 =	vor.u32 v5, v43;
	v50 =	vand.u32 $0x28, v7;
	v48 =	vshll.u32 v7, $0x7  }
0xef: {  	v19 =	vld [tilespmem:$0x1FFF0]  }
0xf0: {  	v53 =	vld [tilespmem:$0x1FFE0]  }
0xf1: {  	v17 =	vmov v12;
	v12 =	vld [tilespmem:$0x1FFD0]  }
0xf2: {  	v0 =	vld [tilespmem:$0x1FFC0];
	v5 =	vshll.u32 v55, $0x7  }
0xf3: {  	v24 =	vld [tilespmem:$0x1FFB0];
	v7 =	vor.u32 s23, v26;
	v5 =	vand.u32 $0x1C00, v5;
	[tilespmem:v51+s13+$0x0] =	vst.idx.msk $0xffff, v56  }
0xf4: {  	v4 =	vld.idx.msk [tilespmem:v4+s10+$0x0], $0xffff;
	[tilespmem:v1+s13+$0x0] =	vst.idx.msk $0xffff, v2;
	v1 =	vor.u32 v5, v33;
	v2 =	vand.u32 $0x38, v7  }
0xf5: {  	v5 =	vld.idx.msk [tilespmem:v63+s10+$0x0], $0xffff;
	v2 =	vor.u32 v2, v32;
	_ =	sdelay $0x2  }
0xf6: {  	v7 =	vshll.u32 v7, $0x7  }
0xf7: {  	v8 =	vor.u32 s23, v27;
	[tilespmem:v1+s13+$0x0] =	vst.idx.msk $0xffff, v4;
	v1 =	vand.u32 $0x1C00, v7  }
0xf8: {  	v4 =	vand.u32 $0x38, v8;
	v2 =	vld.idx.msk [tilespmem:v2+s10+$0x0], $0xffff;
	v1 =	vor.u32 v1, v35;
	[tilespmem:v62+s13+$0x0] =	vst.idx.msk $0xffff, v5  }
0xf9: {  	v4 =	vor.u32 v4, v34;
	v5 =	vld.idx.msk [tilespmem:v61+s10+$0x0], $0xffff;
	_ =	sdelay $0x2  }
0xfa: {  	v7 =	vshll.u32 v8, $0x7  }
0xfb: {  	v8 =	vor.u32 s23, v28;
	[tilespmem:v1+s13+$0x0] =	vst.idx.msk $0xffff, v2;
	v1 =	vand.u32 $0x1C00, v7  }
0xfc: {  	v2 =	vand.u32 $0x38, v8;
	v4 =	vld.idx.msk [tilespmem:v4+s10+$0x0], $0xffff;
	v1 =	vor.u32 v1, v37;
	[tilespmem:v59+s13+$0x0] =	vst.idx.msk $0xffff, v5  }
0xfd: {  	v2 =	vor.u32 v2, v36;
	v5 =	vld.idx.msk [tilespmem:v60+s10+$0x0], $0xffff;
	_ =	sdelay $0x2  }
0xfe: {  	v7 =	vshll.u32 v8, $0x7  }
0xff: {  	v8 =	vor.u32 s23, v29;
	[tilespmem:v1+s13+$0x0] =	vst.idx.msk $0xffff, v4;
	v1 =	vand.u32 $0x1C00, v7  }
0x100: {  	v4 =	vand.u32 $0x38, v8;
	v2 =	vld.idx.msk [tilespmem:v2+s10+$0x0], $0xffff;
	v1 =	vor.u32 v1, v39;
	[tilespmem:v54+s13+$0x0] =	vst.idx.msk $0xffff, v5  }
0x101: {  	v4 =	vor.u32 v4, v38;
	v5 =	vld.idx.msk [tilespmem:v57+s10+$0x0], $0xffff;
	_ =	sdelay $0x2  }
0x102: {  	v7 =	vshll.u32 v8, $0x7  }
0x103: {  	v8 =	vor.u32 s23, v30;
	[tilespmem:v1+s13+$0x0] =	vst.idx.msk $0xffff, v2;
	v1 =	vand.u32 $0x1C00, v7  }
0x104: {  	v2 =	vand.u32 $0x38, v8;
	v4 =	vld.idx.msk [tilespmem:v4+s10+$0x0], $0xffff;
	v1 =	vor.u32 v1, v40;
	[tilespmem:v52+s13+$0x0] =	vst.idx.msk $0xffff, v5  }
0x105: {  	v2 =	vor.u32 v2, v41;
	v5 =	vld.idx.msk [tilespmem:v49+s10+$0x0], $0xffff;
	_ =	sdelay $0x2  }
0x106: {  	v7 =	vshll.u32 v8, $0x7  }
0x107: {  	v8 =	vor.u32 s23, v31;
	[tilespmem:v1+s13+$0x0] =	vst.idx.msk $0xffff, v4;
	v1 =	vand.u32 $0x1C00, v7  }
0x108: {  	v4 =	vand.u32 $0x38, v8;
	v2 =	vld.idx.msk [tilespmem:v2+s10+$0x0], $0xffff;
	v1 =	vor.u32 v1, v43;
	[tilespmem:v46+s13+$0x0] =	vst.idx.msk $0xffff, v5  }
0x109: {  	v4 =	vor.u32 v4, v42;
	v5 =	vld.idx.msk [tilespmem:v47+s10+$0x0], $0xffff  }
0x10a: {  	s30 =	sadd.s32 s5, s25;
	s24 =	sand.u32 $0x3, s21;
	v7 =	vor.u32 v50, v42  }
0x10b: {  	p1 =	seq.s32 s30, $0x0;
	p2 =	sne.s32 s24, $0x0  }
0x10c: {  	p1 =	por !p2, !p1;
	v8 =	vshll.u32 v8, $0x7  }
0x10d: {  	s24 =	simm.s32 $0x1;
	p1 =	por !p1, !p1;
	[tilespmem:v1+s13+$0x0] =	vst.idx.msk $0xffff, v2;
	v1 =	vand.u32 $0x1C00, v8  }
0x10e: {  	s31 =	sshll.u32 s21, $0x13;
	s25 =	sshrl.u32 s30, $0x3;
	s24 =	simm.s32 @!p1 $0x0;
	v2 =	vand.u32 $0x1400, v48;
	v4 =	vld.idx.msk [tilespmem:v4+s10+$0x0], $0xffff;
	v1 =	vor.u32 v1, v44;
	[tilespmem:v45+s13+$0x0] =	vst.idx.msk $0xffff, v5  }
0x10f: {  	p1 =	sne.s32 s21, $0x63;
	s24 =	ssub.s32 s25, s24;
	s23 =	sshll.u32 s30, $0xD;
	v2 =	vor.u32 v2, v44;
	v5 =	vld.idx.msk [tilespmem:v7+s10+$0x0], $0xffff  }
0x110: {  	s25 =	sand.u32 $0x180000, s31;
	s24 =	sshll.u32 s24, $0xA;
	s23 =	sand.u32 $0x7FE00000, s23  }
.Ltmp1:
0x111: {  	s24 =	sand.u32 $0x7C00, s24;
	s23 =	sor.u32 s25, s23;
	(pc) =	sbr.rel @p1 .LBB2_6-.Ltmp1, $4  }
0x112: {  	s23 =	sor.u32 s24, s23  }
0x113: {  	s23 =	sshrl.u32 s23, $0x3;
	[tilespmem:v1+s13+$0x0] =	vst.idx.msk $0xffff, v4  }
0x114: {  	s23 =	sadd.s32 s1, s23;
	[tilespmem:v2+s13+$0x0] =	vst.idx.msk $0xffff, v5  }
0x115: {  	v58 =	vmov v15;
	v15 =	vmov v6;
	v6 =	vmov v3;
	[hbm4b:s23+s14] =	stream.strided.scatter [tilespmem:s13], [sflag:$0x3], $0x2000, s15, s14, $0x38;
	[tilespmem:$0xE400] =	vst v63  }
.Ltmp2:
0x116: {  	(pc) =	sbr.rel .LBB2_7-.Ltmp2, $4  }
0x117: {  	_ = 	snop  }
0x118: {  	_ =	swait.ge [sflag:s16], $0x2000  }
0x119: {  	[sflag:s16] =	ssyncset.done $0x0  }
0x11a: {  	[sflag:s16] =	ssyncadd.s32 $0xFFFFE000  }
.LBB2_6:
0x11b: {  	s23 =	sshll.u32 s21, $0x8  }
0x11c: {  	s23 =	sand.u32 $0x3FFFFF00, s23  }
.Ltmp3:
0x11d: {  	s23 =	sadd.s32 $0x100, s23;
	(pc) =	sbr.rel @p0 .LBB2_8-.Ltmp3, $4  }
0x11e: {  	[tilespmem:s10], [sflag:$0x1] =	stream.indirect.gather [hbm4b:s4+s9], $0x40, s23, s9, $0xb8;
	[tilespmem:$0xE400] =	vst v63  }
0x11f: {  	_ =	swait.ge [sflag:s16], $0x2000  }
0x120: {  	[sflag:s16] =	ssyncset.done $0x0  }
0x121: {  	[sflag:s16] =	ssyncadd.s32 $0xFFFFE000  }
.LBB2_7:
0x122: {  	_ =	swait.ge [sflag:s17], $0x2000  }
0x123: {  	[sflag:s17] =	ssyncset.done $0x0  }
0x124: {  	[sflag:s17] =	ssyncadd.s32 $0xFFFFE000  }
.LBB2_8:
0x125: {  	s24 =	simm.s32 $0x0  }
0x126: {  	v3 =	vlaneseq.u32;
	s23 =	sand.u32 $0x70, s24;
	s25 =	sand.u32 $0x20, s24  }
0x127: {  	v1 =	vor.u32 s23, v3;
	s23 =	sor.u32 $0x10, s25  }
0x128: {  	v42 =	vshll.u32 v1, $0x6;
	v2 =	vor.u32 s23, v3  }
0x129: {  	v5 =	vor.u32 s25, v3;
	v46 =	vor.u32 v10, v42;
	v4 =	vand.u32 $0x38, v2  }
0x12a: {  	v7 =	vand.u32 $0x28, v5;
	v4 =	vor.u32 v4, v46  }
0x12b: {  	v7 =	vor.u32 v7, v46  }
0x12c: {  	v8 =	vor.u32 s25, v6;
	v5 =	vshll.u32 v5, $0x7  }
0x12d: {  	v44 =	vand.u32 $0x78, v1;
	v1 =	vshll.u32 v2, $0x7;
	v2 =	vor.u32 s23, v6  }
0x12e: {  	v47 =	vor.u32 v20, v44;
	v45 =	vor.u32 v22, v42;
	v1 =	vand.u32 $0x1C00, v1  }
0x12f: {  	v5 =	vand.u32 $0x1400, v5;
	v10 =	vand.u32 $0x38, v2;
	v1 =	vor.u32 v1, v47;
	v4 =	vld.idx.msk [tilespmem:v4+s11+$0x0], $0xffff  }
0x130: {  	v11 =	vand.u32 $0x28, v8;
	v5 =	vor.u32 v5, v47;
	v10 =	vor.u32 v10, v45;
	v7 =	vld.idx.msk [tilespmem:v7+s11+$0x0], $0xffff  }
0x131: {  	v11 =	vor.u32 v11, v45  }
0x132: {  	v13 =	vor.u32 s25, v15  }
0x133: {  	v8 =	vshll.u32 v8, $0x7;
	v16 =	vor.u32 s23, v15;
	v3 =	vmovc v0;
	v2 =	vshll.u32 v2, $0x7  }
0x134: {  	v33 =	vor.u32 v24, v44;
	v32 =	vor.u32 v3, v42;
	v2 =	vand.u32 $0x1C00, v2;
	[tilespmem:v1+s18+$0x0] =	vst.idx.msk $0xffff, v4  }
0x135: {  	v8 =	vand.u32 $0x1400, v8;
	v1 =	vor.u32 v2, v33;
	v4 =	vand.u32 $0x38, v16;
	[tilespmem:v5+s18+$0x0] =	vst.idx.msk $0xffff, v7;
	v2 =	vld.idx.msk [tilespmem:v10+s11+$0x0], $0xffff  }
0x136: {  	v14 =	vand.u32 $0x28, v13;
	v8 =	vor.u32 v8, v33;
	v4 =	vor.u32 v4, v32;
	v11 =	vld.idx.msk [tilespmem:v11+s11+$0x0], $0xffff  }
0x137: {  	v10 =	vor.u32 v14, v32;
	_ =	sdelay $0x1  }
0x138: {  	v3 =	vmov v12;
	v14 =	vshll.u32 v16, $0x7  }
0x139: {  	v35 =	vor.u32 v3, v44;
	v5 =	vshll.u32 v13, $0x7;
	v14 =	vand.u32 $0x1C00, v14;
	[tilespmem:v1+s18+$0x0] =	vst.idx.msk $0xffff, v2  }
0x13a: {  	v5 =	vand.u32 $0x1400, v5;
	v14 =	vor.u32 v14, v35;
	[tilespmem:v8+s18+$0x0] =	vst.idx.msk $0xffff, v11;
	v4 =	vld.idx.msk [tilespmem:v4+s11+$0x0], $0xffff  }
0x13b: {  	v2 =	vor.u32 v5, v35;
	v10 =	vld.idx.msk [tilespmem:v10+s11+$0x0], $0xffff  }
0x13c: {  	v3 =	vld [tilespmem:$0x1FF90]  }
0x13d: {  	v12 =	vmov v17;
	v7 =	vor.u32 s25, v17;
	v17 =	vor.u32 s23, v17  }
0x13e: {  	v34 =	vor.u32 v53, v42;
	v1 =	vand.u32 $0x38, v17  }
0x13f: {  	v16 =	vand.u32 $0x28, v7;
	v1 =	vor.u32 v1, v34;
	[tilespmem:v14+s18+$0x0] =	vst.idx.msk $0xffff, v4  }
0x140: {  	v5 =	vor.u32 v16, v34;
	v9 =	vld [tilespmem:$0x1FF20];
	[tilespmem:v2+s18+$0x0] =	vst.idx.msk $0xffff, v10  }
0x141: {  	v36 =	vor.u32 v3, v42;
	v3 =	vld [tilespmem:$0x1FF10]  }
0x142: {  	v11 =	vshll.u32 v17, $0x7  }
0x143: {  	v37 =	vor.u32 v19, v44;
	v7 =	vshll.u32 v7, $0x7;
	v11 =	vand.u32 $0x1C00, v11  }
0x144: {  	v7 =	vand.u32 $0x1400, v7;
	v11 =	vor.u32 v11, v37;
	v1 =	vld.idx.msk [tilespmem:v1+s11+$0x0], $0xffff  }
0x145: {  	v7 =	vor.u32 v7, v37;
	v5 =	vld.idx.msk [tilespmem:v5+s11+$0x0], $0xffff  }
0x146: {  	v13 =	vor.u32 s25, v58;
	v39 =	vor.u32 v3, v44;
	v3 =	vld [tilespmem:$0x1FF30]  }
0x147: {  	v16 =	vand.u32 $0x28, v13;
	v8 =	vshll.u32 v13, $0x7;
	v13 =	vor.u32 s23, v58  }
0x148: {  	v17 =	vand.u32 $0x38, v13  }
0x149: {  	v40 =	vor.u32 s25, v21;
	v4 =	vor.u32 v17, v36;
	[tilespmem:v11+s18+$0x0] =	vst.idx.msk $0xffff, v1  }
0x14a: {  	v48 =	vand.u32 $0x28, v40;
	v8 =	vand.u32 $0x1400, v8;
	v16 =	vor.u32 v16, v36;
	[tilespmem:v7+s18+$0x0] =	vst.idx.msk $0xffff, v5  }
0x14b: {  	v13 =	vshll.u32 v13, $0x7;
	v17 =	vor.u32 s25, v18;
	v38 =	vor.u32 v3, v42;
	v3 =	vld [tilespmem:$0x1FF40]  }
0x14c: {  	v10 =	vand.u32 $0x1C00, v13;
	v54 =	vshll.u32 v17, $0x7;
	v14 =	vor.u32 s25, v9  }
0x14d: {  	v13 =	vor.u32 s23, v9;
	v41 =	vand.u32 $0x28, v14;
	v2 =	vshll.u32 v14, $0x7  }
0x14e: {  	v14 =	vand.u32 $0x38, v13;
	v13 =	vshll.u32 v13, $0x7;
	v10 =	vor.u32 v10, v39;
	v4 =	vld.idx.msk [tilespmem:v4+s11+$0x0], $0xffff  }
0x14f: {  	v1 =	vand.u32 $0x28, v17;
	v8 =	vor.u32 v8, v39;
	v7 =	vand.u32 $0x1C00, v13;
	v13 =	vld.idx.msk [tilespmem:v16+s11+$0x0], $0xffff  }
0x150: {  	v17 =	vshll.u32 v40, $0x7;
	v43 =	vor.u32 v41, v38;
	v40 =	vor.u32 v3, v44;
	v3 =	vld [tilespmem:$0x1FF50];
	_ =	sdelay $0x1  }
0x151: {  	v55 =	vor.u32 s25, v27;
	v11 =	vand.u32 $0x1400, v54;
	v14 =	vor.u32 v14, v38  }
0x152: {  	v5 =	vor.u32 s25, v23;
	v2 =	vand.u32 $0x1400, v2;
	v16 =	vor.u32 s23, v18;
	[tilespmem:v10+s18+$0x0] =	vst.idx.msk $0xffff, v4  }
0x153: {  	v17 =	vand.u32 $0x1400, v17;
	v49 =	vand.u32 $0x38, v16;
	v4 =	vor.u32 s25, v25;
	[tilespmem:v8+s18+$0x0] =	vst.idx.msk $0xffff, v13  }
0x154: {  	v8 =	vshll.u32 v16, $0x7;
	v2 =	vor.u32 v2, v40;
	v13 =	vld.idx.msk [tilespmem:v43+s11+$0x0], $0xffff;
	v41 =	vor.u32 v3, v42  }
0x155: {  	v20 =	vld [tilespmem:$0x1FF60];
	v50 =	vor.u32 v1, v41;
	v1 =	vand.u32 $0x28, v5;
	v5 =	vshll.u32 v5, $0x7  }
0x156: {  	v7 =	vor.u32 v7, v40;
	v10 =	vor.u32 v1, v46;
	v1 =	vand.u32 $0x1400, v5;
	v5 =	vld.idx.msk [tilespmem:v14+s11+$0x0], $0xffff  }
0x157: {  	v49 =	vor.u32 v49, v41;
	v14 =	vand.u32 $0x28, v4;
	v4 =	vshll.u32 v4, $0x7  }
0x158: {  	v63 =	vor.u32 v14, v45;
	v4 =	vand.u32 $0x1400, v4;
	v14 =	vor.u32 s25, v26  }
0x159: {  	v16 =	vor.u32 s23, v21;
	v3 =	vld [tilespmem:$0x1FF70];
	v62 =	vor.u32 v4, v33;
	v4 =	vshll.u32 v14, $0x7  }
0x15a: {  	v8 =	vand.u32 $0x1C00, v8;
	v51 =	vand.u32 $0x38, v16;
	[tilespmem:v2+s18+$0x0] =	vst.idx.msk $0xffff, v13;
	v4 =	vand.u32 $0x1400, v4  }
0x15b: {  	v0 =	vlaneseq.u32;
	v43 =	vor.u32 v20, v44;
	v59 =	vor.u32 v4, v35;
	v4 =	vld.idx.msk [tilespmem:v50+s11+$0x0], $0xffff;
	[tilespmem:v7+s18+$0x0] =	vst.idx.msk $0xffff, v5  }
0x15c: {  	v2 =	vand.u32 $0x28, v55;
	v13 =	vshll.u32 v55, $0x7;
	v11 =	vor.u32 v11, v43;
	v7 =	vld.idx.msk [tilespmem:v49+s11+$0x0], $0xffff  }
0x15d: {  	v55 =	vor.u32 s23, v25;
	v8 =	vor.u32 v8, v43;
	v60 =	vor.u32 v2, v34;
	v19 =	vld [tilespmem:$0x1FF80]  }
0x15e: {  	v2 =	vshll.u32 v16, $0x7;
	v13 =	vand.u32 $0x1400, v13;
	v42 =	vor.u32 v3, v42  }
0x15f: {  	v2 =	vand.u32 $0x1C00, v2;
	v54 =	vor.u32 v13, v37;
	v5 =	vor.u32 v51, v42  }
0x160: {  	v13 =	vor.u32 s25, v28;
	v14 =	vand.u32 $0x28, v14;
	v48 =	vor.u32 v48, v42  }
0x161: {  	v61 =	vor.u32 v14, v32;
	v14 =	vor.u32 s23, v23;
	[tilespmem:v11+s18+$0x0] =	vst.idx.msk $0xffff, v4;
	v4 =	vor.u32 s25, v29  }
0x162: {  	v44 =	vor.u32 v19, v44;
	[tilespmem:v8+s18+$0x0] =	vst.idx.msk $0xffff, v7;
	v8 =	vand.u32 $0x28, v13;
	v13 =	vshll.u32 v13, $0x7  }
0x163: {  	v16 =	vor.u32 v17, v44;
	v2 =	vor.u32 v2, v44;
	v17 =	vand.u32 $0x38, v14  }
0x164: {  	v5 =	vld.idx.msk [tilespmem:v5+s11+$0x0], $0xffff;
	v57 =	vor.u32 v8, v36;
	v8 =	vand.u32 $0x1400, v13;
	v13 =	vand.u32 $0x28, v4  }
0x165: {  	v11 =	vld.idx.msk [tilespmem:v48+s11+$0x0], $0xffff;
	v4 =	vshll.u32 v4, $0x7;
	v7 =	vor.u32 v17, v46;
	v52 =	vor.u32 v8, v39  }
0x166: {  	v49 =	vor.u32 v13, v38;
	v4 =	vand.u32 $0x1400, v4;
	v8 =	vshll.u32 v14, $0x7  }
0x167: {  	v13 =	vor.u32 s25, v30;
	v46 =	vor.u32 v4, v40;
	v4 =	vand.u32 $0x1C00, v8  }
0x168: {  	v1 =	vor.u32 v1, v47;
	v51 =	vor.u32 v4, v47;
	v4 =	vand.u32 $0x28, v13  }
0x169: {  	v8 =	vshll.u32 v13, $0x7;
	v47 =	vor.u32 v4, v41;
	[tilespmem:v2+s18+$0x0] =	vst.idx.msk $0xffff, v5;
	v5 =	vand.u32 $0x38, v55  }
0x16a: {  	[tilespmem:v16+s18+$0x0] =	vst.idx.msk $0xffff, v11;
	v2 =	vld.idx.msk [tilespmem:v7+s11+$0x0], $0xffff;
	v4 =	vor.u32 v5, v45;
	v5 =	vand.u32 $0x1400, v8;
	v7 =	vor.u32 s25, v31  }
0x16b: {  	s21 =	sadd.s32 $0x1, s21;
	s26 =	simm.s32 $0x8;
	v24 =	vmovc v58;
	s25 =	simm.s32 $0x0;
	v56 =	vld.idx.msk [tilespmem:v10+s11+$0x0], $0xffff;
	v45 =	vor.u32 v5, v43;
	v50 =	vand.u32 $0x28, v7;
	v48 =	vshll.u32 v7, $0x7  }
.LBB2_9:
0x16c: {  	_ =	sdelay $0x2  }
0x16d: {  	s24 =	sadd.s32 $0x20, s24;
	v10 =	vld [tilespmem:$0x1FFA0]  }
0x16e: {  	s28 =	sand.u32 $0x70, s26;
	v58 =	vor.u32 v50, v42;
	v5 =	vand.u32 $0x1400, v48;
	s31 =	sand.u32 $0x20, s24;
	[tilespmem:v51+s18+$0x0] =	vst.idx.msk $0xffff, v2;
	v2 =	vshll.u32 v55, $0x7  }
0x16f: {  	v7 =	vor.u32 s28, v0;
	v53 =	vor.u32 v5, v44;
	s29 =	sor.u32 $0x10, s31;
	v2 =	vand.u32 $0x1C00, v2  }
0x170: {  	v5 =	vor.u32 s23, v26;
	v8 =	vor.u32 s29, v0;
	[tilespmem:v1+s18+$0x0] =	vst.idx.msk $0xffff, v56;
	v4 =	vld.idx.msk [tilespmem:v4+s11+$0x0], $0xffff;
	v1 =	vor.u32 v2, v33  }
0x171: {  	v55 =	vshll.u32 v7, $0x6;
	v56 =	vand.u32 $0x78, v7;
	v2 =	vand.u32 $0x38, v5  }
0x172: {  	v7 =	vld [tilespmem:$0x1FEF0];
	v50 =	vor.u32 v10, v55;
	v10 =	vand.u32 $0x38, v8;
	v2 =	vor.u32 v2, v32  }
0x173: {  	v10 =	vor.u32 v10, v50;
	_ =	sdelay $0x1  }
0x174: {  	[tilespmem:v1+s18+$0x0] =	vst.idx.msk $0xffff, v4;
	v1 =	vshll.u32 v5, $0x7  }
0x175: {  	v5 =	vshll.u32 v8, $0x7;
	v1 =	vand.u32 $0x1C00, v1  }
0x176: {  	v51 =	vor.u32 v7, v56;
	v2 =	vld.idx.msk [tilespmem:v2+s11+$0x0], $0xffff;
	v5 =	vand.u32 $0x1C00, v5;
	v1 =	vor.u32 v1, v35  }
0x177: {  	v7 =	vld.idx.msk [tilespmem:v10+s11+$0x0], $0xffff;
	v5 =	vor.u32 v5, v51;
	_ =	sdelay $0x2  }
0x178: {  	v32 =	vor.u32 s23, v27  }
0x179: {  	v11 =	vld.idx.msk [tilespmem:v63+s11+$0x0], $0xffff;
	v33 =	vor.u32 s29, v6;
	v4 =	vand.u32 $0x38, v32;
	[tilespmem:v1+s18+$0x0] =	vst.idx.msk $0xffff, v2  }
0x17a: {  	v48 =	vor.u32 v22, v55;
	v8 =	vand.u32 $0x38, v33;
	v4 =	vor.u32 v4, v34;
	[tilespmem:v5+s18+$0x0] =	vst.idx.msk $0xffff, v7;
	v7 =	vld [tilespmem:$0x1FFB0]  }
0x17b: {  	v8 =	vor.u32 v8, v48;
	_ =	sdelay $0x1  }
0x17c: {  	v1 =	vshll.u32 v32, $0x7  }
0x17d: {  	[tilespmem:v62+s18+$0x0] =	vst.idx.msk $0xffff, v11;
	v62 =	vld [tilespmem:$0x1FFC0];
	v5 =	vshll.u32 v33, $0x7;
	v1 =	vand.u32 $0x1C00, v1  }
0x17e: {  	v4 =	vld.idx.msk [tilespmem:v4+s11+$0x0], $0xffff;
	v5 =	vand.u32 $0x1C00, v5;
	v1 =	vor.u32 v1, v37;
	v33 =	vor.u32 v7, v56  }
0x17f: {  	v7 =	vld.idx.msk [tilespmem:v8+s11+$0x0], $0xffff;
	v5 =	vor.u32 v5, v33  }
0x180: {  	v13 =	vor.u32 s31, v0;
	v14 =	vor.u32 s31, v6  }
0x181: {  	v16 =	vand.u32 $0x28, v13;
	v13 =	vshll.u32 v13, $0x7;
	v17 =	vand.u32 $0x28, v14  }
0x182: {  	v16 =	vor.u32 v16, v50;
	v11 =	vand.u32 $0x1400, v13;
	v35 =	vor.u32 s23, v28  }
0x183: {  	v13 =	vor.u32 v17, v48;
	v17 =	vld.idx.msk [tilespmem:v61+s11+$0x0], $0xffff;
	v61 =	vor.u32 s29, v15;
	v2 =	vand.u32 $0x38, v35;
	[tilespmem:v1+s18+$0x0] =	vst.idx.msk $0xffff, v4  }
0x184: {  	v32 =	vor.u32 v62, v55;
	v2 =	vor.u32 v2, v36;
	v8 =	vand.u32 $0x38, v61;
	[tilespmem:v5+s18+$0x0] =	vst.idx.msk $0xffff, v7;
	v7 =	vld [tilespmem:$0x1FFD0]  }
0x185: {  	v8 =	vor.u32 v8, v32;
	_ =	sdelay $0x1  }
0x186: {  	v11 =	vor.u32 v11, v51;
	v10 =	vld.idx.msk [tilespmem:v16+s11+$0x0], $0xffff;
	v1 =	vshll.u32 v35, $0x7  }
0x187: {  	v63 =	vld [tilespmem:$0x1FFE0];
	v1 =	vand.u32 $0x1C00, v1;
	v5 =	vshll.u32 v61, $0x7  }
0x188: {  	v1 =	vor.u32 v1, v39;
	v2 =	vld.idx.msk [tilespmem:v2+s11+$0x0], $0xffff;
	v5 =	vand.u32 $0x1C00, v5;
	v35 =	vor.u32 v7, v56  }
0x189: {  	v7 =	vld.idx.msk [tilespmem:v8+s11+$0x0], $0xffff;
	v5 =	vor.u32 v5, v35  }
0x18a: {  	v14 =	vshll.u32 v14, $0x7  }
0x18b: {  	v14 =	vand.u32 $0x1400, v14;
	v16 =	vor.u32 s31, v15;
	[tilespmem:v11+s18+$0x0] =	vst.idx.msk $0xffff, v10  }
0x18c: {  	v34 =	vand.u32 $0x28, v16;
	v10 =	vld.idx.msk [tilespmem:v13+s11+$0x0], $0xffff;
	[tilespmem:v59+s18+$0x0] =	vst.idx.msk $0xffff, v17;
	v59 =	vor.u32 s23, v29;
	v11 =	vor.u32 v14, v33  }
0x18d: {  	v13 =	vor.u32 v34, v32;
	v37 =	vld.idx.msk [tilespmem:v60+s11+$0x0], $0xffff;
	v60 =	vor.u32 s29, v12;
	v4 =	vand.u32 $0x38, v59;
	[tilespmem:v1+s18+$0x0] =	vst.idx.msk $0xffff, v2  }
0x18e: {  	v34 =	vor.u32 v63, v55;
	v4 =	vor.u32 v4, v38;
	v8 =	vand.u32 $0x38, v60;
	[tilespmem:v5+s18+$0x0] =	vst.idx.msk $0xffff, v7;
	v7 =	vld [tilespmem:$0x1FFF0]  }
0x18f: {  	v8 =	vor.u32 v8, v34;
	_ =	sdelay $0x1  }
0x190: {  	v62 =	vld [tilespmem:$0x1FF90];
	[tilespmem:v11+s18+$0x0] =	vst.idx.msk $0xffff, v10;
	v1 =	vshll.u32 v59, $0x7  }
0x191: {  	v10 =	vld.idx.msk [tilespmem:v13+s11+$0x0], $0xffff;
	[tilespmem:v54+s18+$0x0] =	vst.idx.msk $0xffff, v37;
	v1 =	vand.u32 $0x1C00, v1;
	v5 =	vshll.u32 v60, $0x7  }
0x192: {  	v1 =	vor.u32 v1, v40;
	v4 =	vld.idx.msk [tilespmem:v4+s11+$0x0], $0xffff;
	v5 =	vand.u32 $0x1C00, v5;
	v37 =	vor.u32 v7, v56  }
0x193: {  	v14 =	vshll.u32 v16, $0x7;
	v16 =	vor.u32 s31, v12;
	v7 =	vld.idx.msk [tilespmem:v8+s11+$0x0], $0xffff;
	v5 =	vor.u32 v5, v37  }
0x194: {  	v36 =	vor.u32 s31, v24;
	v17 =	vand.u32 $0x28, v16  }
0x195: {  	v14 =	vand.u32 $0x1400, v14;
	v39 =	vor.u32 s23, v30;
	v13 =	vor.u32 v17, v34  }
0x196: {  	v17 =	vshll.u32 v36, $0x7;
	v54 =	vor.u32 s29, v24;
	v11 =	vor.u32 v14, v35  }
0x197: {  	v14 =	vshll.u32 v16, $0x7;
	v16 =	vand.u32 $0x28, v36;
	v2 =	vand.u32 $0x38, v39;
	[tilespmem:v1+s18+$0x0] =	vst.idx.msk $0xffff, v4  }
0x198: {  	v36 =	vor.u32 v62, v55;
	v2 =	vor.u32 v2, v41;
	v8 =	vand.u32 $0x38, v54;
	[tilespmem:v5+s18+$0x0] =	vst.idx.msk $0xffff, v7;
	v7 =	vld [tilespmem:$0x1FF10]  }
0x199: {  	v8 =	vor.u32 v8, v36;
	_ =	sdelay $0x1  }
0x19a: {  	v61 =	vld.idx.msk [tilespmem:v57+s11+$0x0], $0xffff;
	v1 =	vshll.u32 v39, $0x7  }
0x19b: {  	v62 =	vld [tilespmem:$0x1FF30];
	v1 =	vand.u32 $0x1C00, v1;
	v5 =	vshll.u32 v54, $0x7  }
0x19c: {  	v1 =	vor.u32 v1, v43;
	v2 =	vld.idx.msk [tilespmem:v2+s11+$0x0], $0xffff;
	v5 =	vand.u32 $0x1C00, v5;
	v39 =	vor.u32 v7, v56  }
0x19d: {  	v7 =	vld.idx.msk [tilespmem:v8+s11+$0x0], $0xffff;
	v5 =	vor.u32 v5, v39  }
0x19e: {  	v14 =	vand.u32 $0x1400, v14;
	[tilespmem:v11+s18+$0x0] =	vst.idx.msk $0xffff, v10  }
0x19f: {  	v60 =	vor.u32 s23, v31;
	s23 =	smov.u32 s29;
	v10 =	vld.idx.msk [tilespmem:v13+s11+$0x0], $0xffff;
	[tilespmem:v52+s18+$0x0] =	vst.idx.msk $0xffff, v61;
	v11 =	vor.u32 v14, v37  }
0x1a0: {  	v13 =	vor.u32 v16, v36;
	v61 =	vor.u32 s23, v9;
	v49 =	vld.idx.msk [tilespmem:v49+s11+$0x0], $0xffff  }
0x1a1: {  	v38 =	vor.u32 v62, v55;
	v8 =	vand.u32 $0x38, v61;
	[tilespmem:v1+s18+$0x0] =	vst.idx.msk $0xffff, v2  }
0x1a2: {  	v8 =	vor.u32 v8, v38;
	[tilespmem:v5+s18+$0x0] =	vst.idx.msk $0xffff, v7;
	v7 =	vld [tilespmem:$0x1FF40]  }
0x1a3: {  	v17 =	vand.u32 $0x1400, v17;
	v57 =	vor.u32 s31, v25;
	v4 =	vand.u32 $0x38, v60  }
0x1a4: {  	v40 =	vor.u32 s31, v21;
	v16 =	vor.u32 s31, v18;
	v4 =	vor.u32 v4, v42;
	[tilespmem:v11+s18+$0x0] =	vst.idx.msk $0xffff, v10  }
0x1a5: {  	v14 =	vor.u32 s31, v9;
	v10 =	vld.idx.msk [tilespmem:v13+s11+$0x0], $0xffff;
	[tilespmem:v46+s18+$0x0] =	vst.idx.msk $0xffff, v49;
	v46 =	vand.u32 $0x28, v40;
	v40 =	vshll.u32 v40, $0x7  }
0x1a6: {  	v63 =	vand.u32 $0x28, v14;
	v49 =	vand.u32 $0x1400, v40;
	v1 =	vshll.u32 v60, $0x7  }
0x1a7: {  	v11 =	vor.u32 v17, v39;
	v1 =	vand.u32 $0x1C00, v1;
	v40 =	vor.u32 v7, v56;
	v7 =	vld.idx.msk [tilespmem:v8+s11+$0x0], $0xffff  }
0x1a8: {  	v14 =	vshll.u32 v14, $0x7;
	v13 =	vor.u32 v63, v38;
	v8 =	vor.u32 v1, v44;
	v1 =	vld [tilespmem:$0x1FF50]  }
0x1a9: {  	v42 =	vor.u32 v3, v55;
	v14 =	vand.u32 $0x1400, v14;
	v2 =	vshll.u32 v61, $0x7;
	v4 =	vld.idx.msk [tilespmem:v4+s11+$0x0], $0xffff  }
0x1aa: {  	v43 =	vor.u32 v20, v56;
	v54 =	vor.u32 s31, v23;
	v63 =	vld.idx.msk [tilespmem:v47+s11+$0x0], $0xffff;
	v2 =	vand.u32 $0x1C00, v2  }
0x1ab: {  	v17 =	vand.u32 $0x28, v16;
	v16 =	vshll.u32 v16, $0x7;
	v2 =	vor.u32 v2, v40  }
0x1ac: {  	v16 =	vand.u32 $0x1400, v16;
	v5 =	vor.u32 s23, v18;
	[tilespmem:v11+s18+$0x0] =	vst.idx.msk $0xffff, v10;
	v44 =	vor.u32 v19, v56  }
0x1ad: {  	v10 =	vld.idx.msk [tilespmem:v13+s11+$0x0], $0xffff;
	v11 =	vor.u32 v14, v40;
	v41 =	vor.u32 v1, v55;
	v1 =	vand.u32 $0x38, v5  }
0x1ae: {  	[tilespmem:v8+s18+$0x0] =	vst.idx.msk $0xffff, v4;
	v8 =	vor.u32 s31, v26;
	v55 =	vor.u32 s23, v25;
	v14 =	vor.u32 v1, v41  }
0x1af: {  	[tilespmem:v45+s18+$0x0] =	vst.idx.msk $0xffff, v63;
	v13 =	vor.u32 v17, v41;
	v1 =	vand.u32 $0x28, v54;
	v17 =	vshll.u32 v54, $0x7  }
0x1b0: {  	[tilespmem:v2+s18+$0x0] =	vst.idx.msk $0xffff, v7;
	v2 =	vshll.u32 v5, $0x7;
	v7 =	vor.u32 s23, v21;
	v45 =	vor.u32 v1, v50  }
0x1b1: {  	v1 =	vand.u32 $0x1400, v17;
	v17 =	vand.u32 $0x28, v57;
	v2 =	vand.u32 $0x1C00, v2  }
0x1b2: {  	v59 =	vld.idx.msk [tilespmem:v58+s11+$0x0], $0xffff;
	[tilespmem:v11+s18+$0x0] =	vst.idx.msk $0xffff, v10;
	v10 =	vand.u32 $0x38, v7;
	v63 =	vor.u32 v17, v48;
	v17 =	vshll.u32 v57, $0x7  }
0x1b3: {  	v1 =	vor.u32 v1, v51;
	v2 =	vor.u32 v2, v43;
	v4 =	vand.u32 $0x1400, v17;
	v5 =	vld.idx.msk [tilespmem:v14+s11+$0x0], $0xffff  }
0x1b4: {  	v10 =	vor.u32 v10, v42;
	v62 =	vor.u32 v4, v33;
	v4 =	vand.u32 $0x28, v8  }
0x1b5: {  	v8 =	vshll.u32 v8, $0x7;
	v11 =	vld.idx.msk [tilespmem:v13+s11+$0x0], $0xffff;
	v13 =	vor.u32 v16, v43;
	v14 =	vor.u32 v46, v42  }
0x1b6: {  	v61 =	vor.u32 v4, v32;
	v4 =	vand.u32 $0x1400, v8;
	v8 =	vor.u32 s31, v27  }
0x1b7: {  	[tilespmem:v53+s18+$0x0] =	vst.idx.msk $0xffff, v59;
	v59 =	vor.u32 v4, v35;
	v4 =	vand.u32 $0x28, v8;
	v8 =	vshll.u32 v8, $0x7  }
0x1b8: {  	v60 =	vor.u32 v4, v34;
	v4 =	vand.u32 $0x1400, v8;
	[tilespmem:v2+s18+$0x0] =	vst.idx.msk $0xffff, v5;
	v2 =	vshll.u32 v7, $0x7  }
0x1b9: {  	v8 =	vor.u32 v49, v44;
	v54 =	vor.u32 v4, v37;
	v2 =	vand.u32 $0x1C00, v2  }
0x1ba: {  	v4 =	vor.u32 s31, v28;
	v7 =	vor.u32 s23, v23;
	v5 =	vld.idx.msk [tilespmem:v10+s11+$0x0], $0xffff;
	v2 =	vor.u32 v2, v44  }
0x1bb: {  	[tilespmem:v13+s18+$0x0] =	vst.idx.msk $0xffff, v11;
	v13 =	vand.u32 $0x28, v4;
	v4 =	vshll.u32 v4, $0x7;
	v10 =	vand.u32 $0x38, v7  }
0x1bc: {  	v11 =	vld.idx.msk [tilespmem:v14+s11+$0x0], $0xffff;
	v14 =	vor.u32 s31, v29;
	v57 =	vor.u32 v13, v36;
	v4 =	vand.u32 $0x1400, v4  }
0x1bd: {  	s25 =	sadd.s32 $0x2, s25;
	v13 =	vand.u32 $0x28, v14;
	v52 =	vor.u32 v4, v39;
	v4 =	vshll.u32 v14, $0x7  }
0x1be: {  	p0 =	slt.u32 s25, $0x1E;
	v10 =	vor.u32 v10, v50;
	v49 =	vor.u32 v13, v38;
	v4 =	vand.u32 $0x1400, v4  }
.Ltmp4:
0x1bf: {  	v13 =	vor.u32 s31, v30;
	v46 =	vor.u32 v4, v40;
	[tilespmem:v2+s18+$0x0] =	vst.idx.msk $0xffff, v5;
	v5 =	vshll.u32 v7, $0x7;
	(pc) =	sbr.rel @p0 .LBB2_9-.Ltmp4, $4  }
0x1c0: {  	v7 =	vor.u32 s31, v31;
	v4 =	vand.u32 $0x1C00, v5;
	v5 =	vand.u32 $0x28, v13  }
0x1c1: {  	[tilespmem:v8+s18+$0x0] =	vst.idx.msk $0xffff, v11;
	v50 =	vand.u32 $0x28, v7;
	v47 =	vor.u32 v5, v41;
	v5 =	vshll.u32 v13, $0x7  }
0x1c2: {  	v56 =	vld.idx.msk [tilespmem:v45+s11+$0x0], $0xffff;
	v51 =	vor.u32 v4, v51;
	v4 =	vand.u32 $0x38, v55;
	v5 =	vand.u32 $0x1400, v5  }
0x1c3: {  	s26 =	sadd.s32 $0x8, s26;
	v2 =	vld.idx.msk [tilespmem:v10+s11+$0x0], $0xffff;
	v4 =	vor.u32 v4, v48;
	v48 =	vshll.u32 v7, $0x7;
	v45 =	vor.u32 v5, v43  }
0x1c4: {  	_ =	sdelay $0x2  }
0x1c5: {  	v5 =	vshll.u32 v55, $0x7  }
0x1c6: {  	[tilespmem:v51+s18+$0x0] =	vst.idx.msk $0xffff, v2;
	v2 =	vand.u32 $0x1C00, v5;
	v5 =	vor.u32 s23, v26  }
0x1c7: {  	[tilespmem:v1+s18+$0x0] =	vst.idx.msk $0xffff, v56;
	v4 =	vld.idx.msk [tilespmem:v4+s11+$0x0], $0xffff;
	v1 =	vor.u32 v2, v33;
	v2 =	vand.u32 $0x38, v5  }
0x1c8: {  	v7 =	vld.idx.msk [tilespmem:v63+s11+$0x0], $0xffff;
	v2 =	vor.u32 v2, v32;
	_ =	sdelay $0x2  }
0x1c9: {  	v5 =	vshll.u32 v5, $0x7  }
0x1ca: {  	v8 =	vor.u32 s23, v27;
	[tilespmem:v1+s18+$0x0] =	vst.idx.msk $0xffff, v4;
	v1 =	vand.u32 $0x1C00, v5  }
0x1cb: {  	[tilespmem:v62+s18+$0x0] =	vst.idx.msk $0xffff, v7;
	v4 =	vand.u32 $0x38, v8;
	v2 =	vld.idx.msk [tilespmem:v2+s11+$0x0], $0xffff;
	v1 =	vor.u32 v1, v35  }
0x1cc: {  	v5 =	vld.idx.msk [tilespmem:v61+s11+$0x0], $0xffff;
	v4 =	vor.u32 v4, v34;
	_ =	sdelay $0x2  }
0x1cd: {  	v7 =	vshll.u32 v8, $0x7  }
0x1ce: {  	v8 =	vor.u32 s23, v28;
	[tilespmem:v1+s18+$0x0] =	vst.idx.msk $0xffff, v2;
	v1 =	vand.u32 $0x1C00, v7  }
0x1cf: {  	[tilespmem:v59+s18+$0x0] =	vst.idx.msk $0xffff, v5;
	v2 =	vand.u32 $0x38, v8;
	v4 =	vld.idx.msk [tilespmem:v4+s11+$0x0], $0xffff;
	v1 =	vor.u32 v1, v37  }
0x1d0: {  	v5 =	vld.idx.msk [tilespmem:v60+s11+$0x0], $0xffff;
	v2 =	vor.u32 v2, v36;
	_ =	sdelay $0x2  }
0x1d1: {  	v7 =	vshll.u32 v8, $0x7  }
0x1d2: {  	v8 =	vor.u32 s23, v29;
	[tilespmem:v1+s18+$0x0] =	vst.idx.msk $0xffff, v4;
	v1 =	vand.u32 $0x1C00, v7  }
0x1d3: {  	[tilespmem:v54+s18+$0x0] =	vst.idx.msk $0xffff, v5;
	v4 =	vand.u32 $0x38, v8;
	v2 =	vld.idx.msk [tilespmem:v2+s11+$0x0], $0xffff;
	v1 =	vor.u32 v1, v39  }
0x1d4: {  	v5 =	vld.idx.msk [tilespmem:v57+s11+$0x0], $0xffff;
	v4 =	vor.u32 v4, v38;
	_ =	sdelay $0x2  }
0x1d5: {  	v7 =	vshll.u32 v8, $0x7  }
0x1d6: {  	v8 =	vor.u32 s23, v30;
	[tilespmem:v1+s18+$0x0] =	vst.idx.msk $0xffff, v2;
	v1 =	vand.u32 $0x1C00, v7  }
0x1d7: {  	[tilespmem:v52+s18+$0x0] =	vst.idx.msk $0xffff, v5;
	v2 =	vand.u32 $0x38, v8;
	v4 =	vld.idx.msk [tilespmem:v4+s11+$0x0], $0xffff;
	v1 =	vor.u32 v1, v40  }
0x1d8: {  	v5 =	vld.idx.msk [tilespmem:v49+s11+$0x0], $0xffff;
	v2 =	vor.u32 v2, v41;
	_ =	sdelay $0x2  }
0x1d9: {  	v7 =	vshll.u32 v8, $0x7  }
0x1da: {  	v8 =	vor.u32 s23, v31;
	[tilespmem:v1+s18+$0x0] =	vst.idx.msk $0xffff, v4;
	v1 =	vand.u32 $0x1C00, v7  }
0x1db: {  	[tilespmem:v46+s18+$0x0] =	vst.idx.msk $0xffff, v5;
	v4 =	vand.u32 $0x38, v8;
	v2 =	vld.idx.msk [tilespmem:v2+s11+$0x0], $0xffff;
	v1 =	vor.u32 v1, v43  }
0x1dc: {  	v5 =	vld.idx.msk [tilespmem:v47+s11+$0x0], $0xffff;
	v4 =	vor.u32 v4, v42  }
0x1dd: {  	v7 =	vor.u32 v50, v42;
	_ =	sdelay $0x1  }
0x1de: {  	v8 =	vshll.u32 v8, $0x7  }
0x1df: {  	[tilespmem:v1+s18+$0x0] =	vst.idx.msk $0xffff, v2;
	v1 =	vand.u32 $0x1C00, v8  }
0x1e0: {  	[tilespmem:v45+s18+$0x0] =	vst.idx.msk $0xffff, v5;
	v2 =	vand.u32 $0x1400, v48;
	v4 =	vld.idx.msk [tilespmem:v4+s11+$0x0], $0xffff;
	v1 =	vor.u32 v1, v44  }
0x1e1: {  	v5 =	vld.idx.msk [tilespmem:v7+s11+$0x0], $0xffff;
	v2 =	vor.u32 v2, v44;
	_ =	sdelay $0x3  }
0x1e2: {  	[tilespmem:v1+s18+$0x0] =	vst.idx.msk $0xffff, v4  }
0x1e3: {  	[tilespmem:v2+s18+$0x0] =	vst.idx.msk $0xffff, v5  }
0x1e4: {  	v10 =	vld [tilespmem:$0x1FFA0]  }
0x1e5: {  	v41 =	vld [tilespmem:$0x1FFB0]  }
0x1e6: {  	v7 =	vld [tilespmem:$0x1FFC0]  }
0x1e7: {  	v8 =	vld [tilespmem:$0x1FFE0]  }
0x1e8: {  	v17 =	vld [tilespmem:$0x1FFF0]  }
0x1e9: {  	s30 =	sadd.s32 s5, s22;
	s31 =	sshll.u32 s22, $0xF;
	p0 =	sne.s32 s21, $0x64;
	v14 =	vld [tilespmem:$0x1FF10]  }
.Ltmp5:
0x1ea: {  	s24 =	sshll.u32 s30, $0xA;
	s23 =	sshll.u32 s30, $0x4;
	v13 =	vld [tilespmem:$0x1FF30];
	(pc) =	sbr.rel @p0 .LBB2_2-.Ltmp5, $4  }
0x1eb: {  	s22 =	sand.u32 $0x38000, s31;
	s24 =	sand.u32 $0xFFC0000, s24;
	s23 =	sand.u32 $0xF80, s23;
	v16 =	vld [tilespmem:$0x1FF40]  }
0x1ec: {  	s22 =	sor.u32 s24, s22;
	s23 =	sadd.s32 s1, s23;
	v5 =	vld [tilespmem:$0x1FF50]  }
0x1ed: {  	v38 =	vmov v6;
	s22 =	sadd.s32 s22, s23;
	v6 =	vld [tilespmem:$0x1FFD0]  }
0x1ee: {  	v11 =	vmov v24;
	v24 =	vmov v9;
	v9 =	vmov v20;
	[hbm4b:s22+s14] =	stream.strided.scatter [tilespmem:s18], [sflag:$0x4], $0x2000, s15, s14, $0x38;
	v51 =	vld [tilespmem:$0x1FF90]  }
0x1ef: {  	s20 =	sadd.s32 $0x1, s20  }
0x1f0: {  	_ =	swait.ge [sflag:s19], $0x2000;
	p0 =	sne.s32 s20, s7  }
.Ltmp6:
0x1f1: {  	[sflag:s19] =	ssyncset.done $0x0;
	(pc) =	sbr.rel @p0 .LBB2_1-.Ltmp6, $4  }
0x1f2: {  	[sflag:s19] =	ssyncadd.s32 $0xFFFFE000  }
0x1f3: {  	_ =	swait.ge [sflag:s17], $0x2000  }
0x1f4: {  	[sflag:s17] =	ssyncset.done $0x0  }
0x1f5: {  	[sflag:s17] =	ssyncadd.s32 $0xFFFFE000  }
0x1f6: {  	_ =	sfence.sel $0x180000  }
0x1f7: {  	[bflag:$0x0] =	sbarrier.arrive $0xFFFF  }
0x1f8: {  	p0 =	sne.s32 s2, $0x0;
	_ =	strace $0x90000047  }
0x1f9: {  	s0 =	sadd.s32 @!p0 $0x100000, s0;
	[bflag:$0x2] =	sbarrier.arrive $0xFFFF  }
0x1fa: {  	[sflag:s0] =	ssyncadd.tile.s32 @!p0 $0x1;
	_ =	shalt  }
.Lfunc_end2:
_tile_overlayer_lowered:
.L_overlay_start_2:
0x1fb: {  	(tag) =	ssettag $0x2  }
0x1fc: {  	s0 =	rddreg [dreg:$0x0];
	s2 =	stileid.u32  }
0x1fd: {  	s1 =	rddreg [dreg:$0x1];
	p0 =	sne.s32 s2, $0x0  }
0x1fe: {  	s3 =	rddreg [dreg:$0x2];
	[bflag:$0x3] =	sbarrier.arrive $0xFFFF;
	s2 =	simm.s32 @!p0 $0x1C05  }
0x1ff: {  	[timem:s3], [sflag:s2] =	dma.local @!p0 [hbm:s0], s1  }
0x200: {  	s0 =	simm.s32 @!p0 $0x5  }
0x201: {  	_ =	swait.ge @!p0 [sflag:s0], s1  }
0x202: {  	s1 =	ssub.s32 @!p0 $0x0, s1;
	[sflag:s0] =	ssyncset.done @!p0 $0x0  }
0x203: {  	[sflag:s0] =	ssyncadd.s32 @!p0 s1  }
0x204: {  	[bflag:$0x3] =	sbarrier.arrive $0xFFFF  }
0x205: {  	_ =	shalt  }

</sc_bundles>
